<compile_context>
chip_gen: v7x
topology: tpu7x:2x2x1
jax: 0.10.2.dev20260603
libtpu: 0.0.44.dev20260713+nightly
codegen_flags: <defaults>
</compile_context>

<pallas_src>
import functools

import jax
import jax.numpy as jnp
from jax import lax
from jax.experimental import pallas as pl
from jax.experimental.pallas import tpu as pltpu
from jax.experimental.pallas import tpu_sc as plsc

VOCAB = 100000
HIDDEN = 1024
BATCH = 4
SEQ = 4096

NC = 2
NS = 16
NW = NC * NS

B = BATCH * SEQ
B_PER_W = B // NW
CHUNK = 32
N_CHUNKS = B_PER_W // CHUNK
NBUF = 2
W_PER_ROW = SEQ // B_PER_W


@functools.partial(
    pl.kernel,
    out_type=jax.ShapeDtypeStruct((B, HIDDEN), jnp.float32),
    mesh=plsc.VectorSubcoreMesh(core_axis_name="c", subcore_axis_name="s"),
    scratch_types=[
        pltpu.VMEM((B_PER_W,), jnp.int32),
        pltpu.VMEM((NBUF, CHUNK, HIDDEN), jnp.float32),
        pltpu.SemaphoreType.DMA((NBUF,)),
        pltpu.SemaphoreType.DMA((NBUF,)),
    ],
)
def _embed_sc(ids_hbm, tab_hbm, out_hbm, idx_v, buf, gsem, osem):
    wid = lax.axis_index("s") * NC + lax.axis_index("c")
    chunk0 = wid * N_CHUNKS
    pltpu.sync_copy(
        ids_hbm.at[wid // W_PER_ROW,
                   pl.ds((wid % W_PER_ROW) * B_PER_W, B_PER_W)],
        idx_v,
    )

    def gather(g, b):
        pltpu.async_copy(tab_hbm.at[idx_v.at[pl.ds(g * CHUNK, CHUNK)]], buf.at[b], gsem.at[b])

    def wait_gather(g, b):
        pltpu.make_async_copy(
            tab_hbm.at[idx_v.at[pl.ds(g * CHUNK, CHUNK)]], buf.at[b], gsem.at[b]
        ).wait()

    def put(g, b):
        pltpu.async_copy(
            buf.at[b], out_hbm.at[pl.ds((chunk0 + g) * CHUNK, CHUNK)],
            osem.at[b],
        )

    def wait_put(g, b):
        pltpu.make_async_copy(
            buf.at[b], out_hbm.at[pl.ds((chunk0 + g) * CHUNK, CHUNK)],
            osem.at[b],
        ).wait()

    gather(0, 0)
    gather(1, 1)
    wait_gather(0, 0)
    put(0, 0)

    def steady(o, _):
        for s in range(NBUF):
            g = 1 + o * NBUF + s
            b = (1 + s) % NBUF
            bn = s % NBUF
            wait_put(g - 1, bn)
            gather(g + 1, bn)
            wait_gather(g, b)
            put(g, b)
        return _

    lax.fori_loop(0, (N_CHUNKS - 2) // NBUF, steady, None)

    g = N_CHUNKS - 1
    wait_gather(g, g % NBUF)
    put(g, g % NBUF)
    wait_put(g - 1, (g - 1) % NBUF)
    wait_put(g, g % NBUF)


def kernel(input_ids, word_embeddings):
    out = _embed_sc(input_ids.astype(jnp.int32), word_embeddings)
    return out.reshape(BATCH, SEQ, HIDDEN)

# --- scband reference (transcript-rebuilt; emitter-appended) ---
"""Pipeline reference for scband-embedding-17308718203294 (READ-ONLY COPY).

The authoritative reference and input builder live on the scoring server;
editing this copy changes nothing except your own understanding.
"""

import jax, jax.numpy as jnp
import numpy as np

VOCAB = 100000
HIDDEN = 1024
BATCH = 4
SEQ = 4096


def setup_inputs(seed: int = 0) -> dict:
    key = jax.random.key(seed)
    k_idx, k_tab = jax.random.split(key)
    input_ids = jax.random.randint(k_idx, (BATCH, SEQ), 0, VOCAB, dtype=jnp.int64 if jax.config.jax_enable_x64 else jnp.int32)
    word_embeddings = jax.random.normal(k_tab, (VOCAB, HIDDEN), dtype=jnp.float32) * 0.02
    return {"input_ids": input_ids, "word_embeddings": word_embeddings}


def reference(input_ids, word_embeddings):
    # words_embeddings = self.word_embeddings(input_ids)
    words_embeddings = jnp.take(word_embeddings, input_ids, axis=0)
    embeddings = words_embeddings
    # fp32_residual_connection -> embeddings.float()
    embeddings = embeddings.astype(jnp.float32)
    return embeddings

if __name__ == "__main__":
    import jax
    _d = setup_inputs()
    print(jax.jit(kernel)(*tuple(_d.values())))

</pallas_src>

<mosaic_0001>
#map = affine_map<(d0, d1) -> (0, 0)>
module attributes {stable_mosaic.version = 14 : i64} {
  func.func @_embed_sc(%arg0: i32, %arg1: i32, %arg2: memref<4x4096xi32, #tpu.memory_space<hbm>>, %arg3: memref<100000x1024xf32, #tpu.memory_space<hbm>>, %arg4: memref<16384x1024xf32, #tpu.memory_space<hbm>>, %arg5: memref<512xi32, #tpu.memory_space<vmem>>, %arg6: memref<2x32x1024xf32, #tpu.memory_space<vmem>>, %arg7: memref<2x!tpu.dma_semaphore, #tpu.memory_space<semaphore_mem>>, %arg8: memref<2x!tpu.dma_semaphore, #tpu.memory_space<semaphore_mem>>) attributes {dimension_semantics = [#tpu.dimension_semantics<core_parallel>, #tpu.dimension_semantics<subcore_parallel>], iteration_bounds = array<i64: 2, 16>, scalar_prefetch = 0 : i64, scratch_operands = 4 : i64, tpu.core_type = #tpu.core_type<sc_vector_subcore>, window_params = [{transform_indices = #map}, {transform_indices = #map}, {transform_indices = #map}]} {
    %mul3A = arith.constant 2 : i32
    %mul3A_0 = arith.muli %arg1, %mul3A : i32
    %add3A = arith.addi %mul3A_0, %arg0 : i32
    %mul3A_1 = arith.constant 16 : i32
    %mul3A_2 = arith.muli %add3A, %mul3A_1 : i32
    %jit3A = arith.constant 8 : i32
    %div3A = arith.divsi %add3A, %jit3A : i32
    %sign3A = arith.constant 0 : i32
    %sign3A_3 = arith.cmpi sgt, %add3A, %sign3A : i32
    %sign3A_4 = arith.extui %sign3A_3 : i1 to i32
    %sign3A_5 = arith.constant 0 : i32
    %sign3A_6 = arith.cmpi slt, %add3A, %sign3A_5 : i32
    %sign3A_7 = arith.extui %sign3A_6 : i1 to i32
    %sign3A_8 = arith.subi %sign3A_4, %sign3A_7 : i32
    %sign3A_9 = arith.constant 0 : i32
    %sign3A_10 = arith.cmpi sgt, %jit3A, %sign3A_9 : i32
    %sign3A_11 = arith.extui %sign3A_10 : i1 to i32
    %sign3A_12 = arith.constant 0 : i32
    %sign3A_13 = arith.cmpi slt, %jit3A, %sign3A_12 : i32
    %sign3A_14 = arith.extui %sign3A_13 : i1 to i32
    %sign3A_15 = arith.subi %sign3A_11, %sign3A_14 : i32
    %ne3A = arith.cmpi ne, %sign3A_8, %sign3A_15 : i32
    %rem3A = arith.remsi %add3A, %jit3A : i32
    %ne3A_16 = arith.constant 0 : i32
    %ne3A_17 = arith.cmpi ne, %rem3A, %ne3A_16 : i32
    %and3A = arith.andi %ne3A, %ne3A_17 : i1
    %sub3A = arith.constant 1 : i32
    %sub3A_18 = arith.subi %div3A, %sub3A : i32
    %select_n3A = arith.select %and3A, %sub3A_18, %div3A : i32
    %jit3A_19 = arith.constant 8 : i32
    %eq3A = arith.constant 0 : i32
    %eq3A_20 = arith.cmpi eq, %jit3A_19, %eq3A : i32
    %jit3A_21 = arith.constant 1 : i32
    %select_n3A_22 = arith.select %eq3A_20, %jit3A_21, %jit3A_19 : i32
    %rem3A_23 = arith.remsi %add3A, %select_n3A_22 : i32
    %ne3A_24 = arith.constant 0 : i32
    %ne3A_25 = arith.cmpi ne, %rem3A_23, %ne3A_24 : i32
    %lt3A = arith.constant 0 : i32
    %lt3A_26 = arith.cmpi slt, %rem3A_23, %lt3A : i32
    %lt3A_27 = arith.constant 0 : i32
    %lt3A_28 = arith.cmpi slt, %select_n3A_22, %lt3A_27 : i32
    %ne3A_29 = arith.xori %lt3A_26, %lt3A_28 : i1
    %and3A_30 = arith.andi %ne3A_29, %ne3A_25 : i1
    %add3A_31 = arith.addi %rem3A_23, %select_n3A_22 : i32
    %select_n3A_32 = arith.select %and3A_30, %add3A_31, %rem3A_23 : i32
    %mul3A_33 = arith.constant 512 : i32
    %mul3A_34 = arith.muli %select_n3A_32, %mul3A_33 : i32
    "tpu.region"() ({
      %run_scoped3A = tpu.sem_alloc : memref<!tpu.dma_semaphore, #tpu.memory_space<semaphore_mem>>
      %dma_start3A_169 = tpu.memref_slice %arg2[%select_n3A, %mul3A_34] : memref<4x4096xi32, #tpu.memory_space<hbm>> -> memref<1x512xi32, #tpu.memory_space<hbm>>
      %dma_start3A_170 = tpu.memref_squeeze %dma_start3A_169 : memref<1x512xi32, #tpu.memory_space<hbm>> -> memref<512xi32, #tpu.memory_space<hbm>>
      %dma_start3A_171 = tpu.memref_slice %arg2[%select_n3A, %mul3A_34] : memref<4x4096xi32, #tpu.memory_space<hbm>> -> memref<1x512xi32, #tpu.memory_space<hbm>>
      %dma_start3A_172 = tpu.memref_squeeze %dma_start3A_171 : memref<1x512xi32, #tpu.memory_space<hbm>> -> memref<512xi32, #tpu.memory_space<hbm>>
      tpu.enqueue_dma source(%dma_start3A_172 : memref<512xi32, #tpu.memory_space<hbm>>) target(%arg5 : memref<512xi32, #tpu.memory_space<vmem>>) target_semaphore(%run_scoped3A : memref<!tpu.dma_semaphore, #tpu.memory_space<semaphore_mem>>)
      %dma_wait3A_173 = tpu.memref_slice %arg2[%select_n3A, %mul3A_34] : memref<4x4096xi32, #tpu.memory_space<hbm>> -> memref<1x512xi32, #tpu.memory_space<hbm>>
      %dma_wait3A_174 = tpu.memref_squeeze %dma_wait3A_173 : memref<1x512xi32, #tpu.memory_space<hbm>> -> memref<512xi32, #tpu.memory_space<hbm>>
      %dma_wait3A_175 = tpu.memref_slice %arg2[%select_n3A, %mul3A_34] : memref<4x4096xi32, #tpu.memory_space<hbm>> -> memref<1x512xi32, #tpu.memory_space<hbm>>
      %dma_wait3A_176 = tpu.memref_squeeze %dma_wait3A_175 : memref<1x512xi32, #tpu.memory_space<hbm>> -> memref<512xi32, #tpu.memory_space<hbm>>
      tpu.wait_dma2 semaphore(%run_scoped3A : memref<!tpu.dma_semaphore, #tpu.memory_space<semaphore_mem>>) src(%dma_wait3A_176 : memref<512xi32, #tpu.memory_space<hbm>>) dst(%arg5 : memref<512xi32, #tpu.memory_space<vmem>>)
      tpu.yield
    }) : () -> ()
    %dma_start3A = arith.constant 0 : i32
    %dma_start3A_35 = arith.constant 0 : i32
    %dma_start3A_36 = arith.constant 0 : i32
    %dma_start3A_37 = arith.constant 0 : i32
    %dma_start3A_38 = tpu.memref_slice %arg6[%dma_start3A, %dma_start3A_36, %dma_start3A_37] : memref<2x32x1024xf32, #tpu.memory_space<vmem>> -> memref<1x32x1024xf32, #tpu.memory_space<vmem>>
    %dma_start3A_39 = tpu.memref_squeeze %dma_start3A_38 : memref<1x32x1024xf32, #tpu.memory_space<vmem>> -> memref<32x1024xf32, #tpu.memory_space<vmem>>
    %dma_start3A_40 = arith.constant 0 : i32
    %dma_start3A_41 = tpu.memref_slice %arg5[%dma_start3A_40] : memref<512xi32, #tpu.memory_space<vmem>> -> memref<32xi32, #tpu.memory_space<vmem>>
    %dma_start3A_42 = arith.constant 0 : i32
    %dma_start3A_43 = arith.constant 0 : i32
    %dma_start3A_44 = tpu.memref_slice %arg3[%dma_start3A_42, %dma_start3A_43] : memref<100000x1024xf32, #tpu.memory_space<hbm>> -> memref<100000x1024xf32, #tpu.memory_space<hbm>>
    %dma_start3A_45 = tpu.memref_slice %arg7[%dma_start3A_35] : memref<2x!tpu.dma_semaphore, #tpu.memory_space<semaphore_mem>> -> memref<1x!tpu.dma_semaphore, #tpu.memory_space<semaphore_mem>>
    %dma_start3A_46 = tpu.memref_squeeze %dma_start3A_45 : memref<1x!tpu.dma_semaphore, #tpu.memory_space<semaphore_mem>> -> memref<!tpu.dma_semaphore, #tpu.memory_space<semaphore_mem>>
    tpu.enqueue_indirect_dma source(%dma_start3A_44 : memref<100000x1024xf32, #tpu.memory_space<hbm>>) target(%dma_start3A_39 : memref<32x1024xf32, #tpu.memory_space<vmem>>) offsets(%dma_start3A_41 : memref<32xi32, #tpu.memory_space<vmem>>) semaphore(%dma_start3A_46 : memref<!tpu.dma_semaphore, #tpu.memory_space<semaphore_mem>>)
    %dma_start3A_47 = arith.constant 1 : i32
    %dma_start3A_48 = arith.constant 1 : i32
    %dma_start3A_49 = arith.constant 0 : i32
    %dma_start3A_50 = arith.constant 0 : i32
    %dma_start3A_51 = tpu.memref_slice %arg6[%dma_start3A_47, %dma_start3A_49, %dma_start3A_50] : memref<2x32x1024xf32, #tpu.memory_space<vmem>> -> memref<1x32x1024xf32, #tpu.memory_space<vmem>>
    %dma_start3A_52 = tpu.memref_squeeze %dma_start3A_51 : memref<1x32x1024xf32, #tpu.memory_space<vmem>> -> memref<32x1024xf32, #tpu.memory_space<vmem>>
    %dma_start3A_53 = arith.constant 32 : i32
    %dma_start3A_54 = tpu.memref_slice %arg5[%dma_start3A_53] : memref<512xi32, #tpu.memory_space<vmem>> -> memref<32xi32, #tpu.memory_space<vmem>>
    %dma_start3A_55 = arith.constant 0 : i32
    %dma_start3A_56 = arith.constant 0 : i32
    %dma_start3A_57 = tpu.memref_slice %arg3[%dma_start3A_55, %dma_start3A_56] : memref<100000x1024xf32, #tpu.memory_space<hbm>> -> memref<100000x1024xf32, #tpu.memory_space<hbm>>
    %dma_start3A_58 = tpu.memref_slice %arg7[%dma_start3A_48] : memref<2x!tpu.dma_semaphore, #tpu.memory_space<semaphore_mem>> -> memref<1x!tpu.dma_semaphore, #tpu.memory_space<semaphore_mem>>
    %dma_start3A_59 = tpu.memref_squeeze %dma_start3A_58 : memref<1x!tpu.dma_semaphore, #tpu.memory_space<semaphore_mem>> -> memref<!tpu.dma_semaphore, #tpu.memory_space<semaphore_mem>>
    tpu.enqueue_indirect_dma source(%dma_start3A_57 : memref<100000x1024xf32, #tpu.memory_space<hbm>>) target(%dma_start3A_52 : memref<32x1024xf32, #tpu.memory_space<vmem>>) offsets(%dma_start3A_54 : memref<32xi32, #tpu.memory_space<vmem>>) semaphore(%dma_start3A_59 : memref<!tpu.dma_semaphore, #tpu.memory_space<semaphore_mem>>)
    %dma_wait3A = arith.constant 0 : i32
    %dma_wait3A_60 = arith.constant 0 : i32
    %dma_wait3A_61 = arith.constant 0 : i32
    %dma_wait3A_62 = arith.constant 0 : i32
    %dma_wait3A_63 = tpu.memref_slice %arg6[%dma_wait3A, %dma_wait3A_61, %dma_wait3A_62] : memref<2x32x1024xf32, #tpu.memory_space<vmem>> -> memref<1x32x1024xf32, #tpu.memory_space<vmem>>
    %dma_wait3A_64 = tpu.memref_squeeze %dma_wait3A_63 : memref<1x32x1024xf32, #tpu.memory_space<vmem>> -> memref<32x1024xf32, #tpu.memory_space<vmem>>
    %dma_wait3A_65 = arith.constant 0 : i32
    %dma_wait3A_66 = tpu.memref_slice %arg5[%dma_wait3A_65] : memref<512xi32, #tpu.memory_space<vmem>> -> memref<32xi32, #tpu.memory_space<vmem>>
    %dma_wait3A_67 = arith.constant 0 : i32
    %dma_wait3A_68 = arith.constant 0 : i32
    %dma_wait3A_69 = tpu.memref_slice %arg3[%dma_wait3A_67, %dma_wait3A_68] : memref<100000x1024xf32, #tpu.memory_space<hbm>> -> memref<100000x1024xf32, #tpu.memory_space<hbm>>
    %dma_wait3A_70 = tpu.memref_slice %arg7[%dma_wait3A_60] : memref<2x!tpu.dma_semaphore, #tpu.memory_space<semaphore_mem>> -> memref<1x!tpu.dma_semaphore, #tpu.memory_space<semaphore_mem>>
    %dma_wait3A_71 = tpu.memref_squeeze %dma_wait3A_70 : memref<1x!tpu.dma_semaphore, #tpu.memory_space<semaphore_mem>> -> memref<!tpu.dma_semaphore, #tpu.memory_space<semaphore_mem>>
    tpu.wait_indirect_dma semaphore(%dma_wait3A_71 : memref<!tpu.dma_semaphore, #tpu.memory_space<semaphore_mem>>) src(%dma_wait3A_69 : memref<100000x1024xf32, #tpu.memory_space<hbm>>) dst(%dma_wait3A_64 : memref<32x1024xf32, #tpu.memory_space<vmem>>)
    %add3A_72 = arith.constant 0 : i32
    %add3A_73 = arith.addi %mul3A_2, %add3A_72 : i32
    %mul3A_74 = arith.constant 32 : i32
    %mul3A_75 = arith.muli %add3A_73, %mul3A_74 : i32
    %dma_start3A_76 = arith.constant 0 : i32
    %dma_start3A_77 = arith.constant 0 : i32
    %dma_start3A_78 = arith.constant 0 : i32
    %dma_start3A_79 = arith.constant 0 : i32
    %dma_start3A_80 = tpu.memref_slice %arg6[%dma_start3A_76, %dma_start3A_78, %dma_start3A_79] : memref<2x32x1024xf32, #tpu.memory_space<vmem>> -> memref<1x32x1024xf32, #tpu.memory_space<vmem>>
    %dma_start3A_81 = tpu.memref_squeeze %dma_start3A_80 : memref<1x32x1024xf32, #tpu.memory_space<vmem>> -> memref<32x1024xf32, #tpu.memory_space<vmem>>
    %dma_start3A_82 = arith.constant 0 : i32
    %dma_start3A_83 = tpu.memref_slice %arg4[%mul3A_75, %dma_start3A_82] : memref<16384x1024xf32, #tpu.memory_space<hbm>> -> memref<32x1024xf32, #tpu.memory_space<hbm>>
    %dma_start3A_84 = tpu.memref_slice %arg8[%dma_start3A_77] : memref<2x!tpu.dma_semaphore, #tpu.memory_space<semaphore_mem>> -> memref<1x!tpu.dma_semaphore, #tpu.memory_space<semaphore_mem>>
    %dma_start3A_85 = tpu.memref_squeeze %dma_start3A_84 : memref<1x!tpu.dma_semaphore, #tpu.memory_space<semaphore_mem>> -> memref<!tpu.dma_semaphore, #tpu.memory_space<semaphore_mem>>
    %dma_start3A_86 = arith.constant 0 : i32
    %dma_start3A_87 = tpu.memref_slice %arg4[%mul3A_75, %dma_start3A_86] : memref<16384x1024xf32, #tpu.memory_space<hbm>> -> memref<32x1024xf32, #tpu.memory_space<hbm>>
    %dma_start3A_88 = arith.constant 0 : i32
    %dma_start3A_89 = arith.constant 0 : i32
    %dma_start3A_90 = tpu.memref_slice %arg6[%dma_start3A_76, %dma_start3A_88, %dma_start3A_89] : memref<2x32x1024xf32, #tpu.memory_space<vmem>> -> memref<1x32x1024xf32, #tpu.memory_space<vmem>>
    %dma_start3A_91 = tpu.memref_squeeze %dma_start3A_90 : memref<1x32x1024xf32, #tpu.memory_space<vmem>> -> memref<32x1024xf32, #tpu.memory_space<vmem>>
    tpu.enqueue_dma source(%dma_start3A_91 : memref<32x1024xf32, #tpu.memory_space<vmem>>) target(%dma_start3A_87 : memref<32x1024xf32, #tpu.memory_space<hbm>>) target_semaphore(%dma_start3A_85 : memref<!tpu.dma_semaphore, #tpu.memory_space<semaphore_mem>>)
    %scan3A = arith.constant 0 : i32
    %scan3A_92 = arith.constant 7 : i32
    %scan3A_93 = arith.addi %scan3A, %scan3A_92 : i32
    %scan3A_94 = arith.constant 1 : i32
    scf.for %scan3A_169 = %scan3A to %scan3A_93 step %scan3A_94  : i32 {
      %mul3A_170 = arith.constant 2 : i32
      %mul3A_171 = arith.muli %scan3A_169, %mul3A_170 : i32
      %add3A_172 = arith.constant 1 : i32
      %add3A_173 = arith.addi %add3A_172, %mul3A_171 : i32
      %add3A_174 = arith.constant 0 : i32
      %add3A_175 = arith.addi %add3A_173, %add3A_174 : i32
      %sub3A_176 = arith.constant 1 : i32
      %sub3A_177 = arith.subi %add3A_175, %sub3A_176 : i32
      %add3A_178 = arith.addi %mul3A_2, %sub3A_177 : i32
      %mul3A_179 = arith.constant 32 : i32
      %mul3A_180 = arith.muli %add3A_178, %mul3A_179 : i32
      %dma_wait3A_181 = arith.constant 0 : i32
      %dma_wait3A_182 = arith.constant 0 : i32
      %dma_wait3A_183 = arith.constant 0 : i32
      %dma_wait3A_184 = arith.constant 0 : i32
      %dma_wait3A_185 = tpu.memref_slice %arg6[%dma_wait3A_181, %dma_wait3A_183, %dma_wait3A_184] : memref<2x32x1024xf32, #tpu.memory_space<vmem>> -> memref<1x32x1024xf32, #tpu.memory_space<vmem>>
      %dma_wait3A_186 = tpu.memref_squeeze %dma_wait3A_185 : memref<1x32x1024xf32, #tpu.memory_space<vmem>> -> memref<32x1024xf32, #tpu.memory_space<vmem>>
      %dma_wait3A_187 = arith.constant 0 : i32
      %dma_wait3A_188 = tpu.memref_slice %arg4[%mul3A_180, %dma_wait3A_187] : memref<16384x1024xf32, #tpu.memory_space<hbm>> -> memref<32x1024xf32, #tpu.memory_space<hbm>>
      %dma_wait3A_189 = tpu.memref_slice %arg8[%dma_wait3A_182] : memref<2x!tpu.dma_semaphore, #tpu.memory_space<semaphore_mem>> -> memref<1x!tpu.dma_semaphore, #tpu.memory_space<semaphore_mem>>
      %dma_wait3A_190 = tpu.memref_squeeze %dma_wait3A_189 : memref<1x!tpu.dma_semaphore, #tpu.memory_space<semaphore_mem>> -> memref<!tpu.dma_semaphore, #tpu.memory_space<semaphore_mem>>
      %dma_wait3A_191 = arith.constant 0 : i32
      %dma_wait3A_192 = tpu.memref_slice %arg4[%mul3A_180, %dma_wait3A_191] : memref<16384x1024xf32, #tpu.memory_space<hbm>> -> memref<32x1024xf32, #tpu.memory_space<hbm>>
      %dma_wait3A_193 = arith.constant 0 : i32
      %dma_wait3A_194 = arith.constant 0 : i32
      %dma_wait3A_195 = tpu.memref_slice %arg6[%dma_wait3A_181, %dma_wait3A_193, %dma_wait3A_194] : memref<2x32x1024xf32, #tpu.memory_space<vmem>> -> memref<1x32x1024xf32, #tpu.memory_space<vmem>>
      %dma_wait3A_196 = tpu.memref_squeeze %dma_wait3A_195 : memref<1x32x1024xf32, #tpu.memory_space<vmem>> -> memref<32x1024xf32, #tpu.memory_space<vmem>>
      tpu.wait_dma2 semaphore(%dma_wait3A_190 : memref<!tpu.dma_semaphore, #tpu.memory_space<semaphore_mem>>) src(%dma_wait3A_196 : memref<32x1024xf32, #tpu.memory_space<vmem>>) dst(%dma_wait3A_192 : memref<32x1024xf32, #tpu.memory_space<hbm>>)
      %add3A_197 = arith.constant 1 : i32
      %add3A_198 = arith.addi %add3A_175, %add3A_197 : i32
      %mul3A_199 = arith.constant 32 : i32
      %mul3A_200 = arith.muli %add3A_198, %mul3A_199 : i32
      %dma_start3A_201 = arith.constant 0 : i32
      %dma_start3A_202 = arith.constant 0 : i32
      %dma_start3A_203 = arith.constant 0 : i32
      %dma_start3A_204 = arith.constant 0 : i32
      %dma_start3A_205 = tpu.memref_slice %arg6[%dma_start3A_201, %dma_start3A_203, %dma_start3A_204] : memref<2x32x1024xf32, #tpu.memory_space<vmem>> -> memref<1x32x1024xf32, #tpu.memory_space<vmem>>
      %dma_start3A_206 = tpu.memref_squeeze %dma_start3A_205 : memref<1x32x1024xf32, #tpu.memory_space<vmem>> -> memref<32x1024xf32, #tpu.memory_space<vmem>>
      %dma_start3A_207 = tpu.memref_slice %arg5[%mul3A_200] : memref<512xi32, #tpu.memory_space<vmem>> -> memref<32xi32, #tpu.memory_space<vmem>>
      %dma_start3A_208 = arith.constant 0 : i32
      %dma_start3A_209 = arith.constant 0 : i32
      %dma_start3A_210 = tpu.memref_slice %arg3[%dma_start3A_208, %dma_start3A_209] : memref<100000x1024xf32, #tpu.memory_space<hbm>> -> memref<100000x1024xf32, #tpu.memory_space<hbm>>
      %dma_start3A_211 = tpu.memref_slice %arg7[%dma_start3A_202] : memref<2x!tpu.dma_semaphore, #tpu.memory_space<semaphore_mem>> -> memref<1x!tpu.dma_semaphore, #tpu.memory_space<semaphore_mem>>
      %dma_start3A_212 = tpu.memref_squeeze %dma_start3A_211 : memref<1x!tpu.dma_semaphore, #tpu.memory_space<semaphore_mem>> -> memref<!tpu.dma_semaphore, #tpu.memory_space<semaphore_mem>>
      tpu.enqueue_indirect_dma source(%dma_start3A_210 : memref<100000x1024xf32, #tpu.memory_space<hbm>>) target(%dma_start3A_206 : memref<32x1024xf32, #tpu.memory_space<vmem>>) offsets(%dma_start3A_207 : memref<32xi32, #tpu.memory_space<vmem>>) semaphore(%dma_start3A_212 : memref<!tpu.dma_semaphore, #tpu.memory_space<semaphore_mem>>)
      %mul3A_213 = arith.constant 32 : i32
      %mul3A_214 = arith.muli %add3A_175, %mul3A_213 : i32
      %dma_wait3A_215 = arith.constant 1 : i32
      %dma_wait3A_216 = arith.constant 1 : i32
      %dma_wait3A_217 = arith.constant 0 : i32
      %dma_wait3A_218 = arith.constant 0 : i32
      %dma_wait3A_219 = tpu.memref_slice %arg6[%dma_wait3A_215, %dma_wait3A_217, %dma_wait3A_218] : memref<2x32x1024xf32, #tpu.memory_space<vmem>> -> memref<1x32x1024xf32, #tpu.memory_space<vmem>>
      %dma_wait3A_220 = tpu.memref_squeeze %dma_wait3A_219 : memref<1x32x1024xf32, #tpu.memory_space<vmem>> -> memref<32x1024xf32, #tpu.memory_space<vmem>>
      %dma_wait3A_221 = tpu.memref_slice %arg5[%mul3A_214] : memref<512xi32, #tpu.memory_space<vmem>> -> memref<32xi32, #tpu.memory_space<vmem>>
      %dma_wait3A_222 = arith.constant 0 : i32
      %dma_wait3A_223 = arith.constant 0 : i32
      %dma_wait3A_224 = tpu.memref_slice %arg3[%dma_wait3A_222, %dma_wait3A_223] : memref<100000x1024xf32, #tpu.memory_space<hbm>> -> memref<100000x1024xf32, #tpu.memory_space<hbm>>
      %dma_wait3A_225 = tpu.memref_slice %arg7[%dma_wait3A_216] : memref<2x!tpu.dma_semaphore, #tpu.memory_space<semaphore_mem>> -> memref<1x!tpu.dma_semaphore, #tpu.memory_space<semaphore_mem>>
      %dma_wait3A_226 = tpu.memref_squeeze %dma_wait3A_225 : memref<1x!tpu.dma_semaphore, #tpu.memory_space<semaphore_mem>> -> memref<!tpu.dma_semaphore, #tpu.memory_space<semaphore_mem>>
      tpu.wait_indirect_dma semaphore(%dma_wait3A_226 : memref<!tpu.dma_semaphore, #tpu.memory_space<semaphore_mem>>) src(%dma_wait3A_224 : memref<100000x1024xf32, #tpu.memory_space<hbm>>) dst(%dma_wait3A_220 : memref<32x1024xf32, #tpu.memory_space<vmem>>)
      %add3A_227 = arith.addi %mul3A_2, %add3A_175 : i32
      %mul3A_228 = arith.constant 32 : i32
      %mul3A_229 = arith.muli %add3A_227, %mul3A_228 : i32
      %dma_start3A_230 = arith.constant 1 : i32
      %dma_start3A_231 = arith.constant 1 : i32
      %dma_start3A_232 = arith.constant 0 : i32
      %dma_start3A_233 = arith.constant 0 : i32
      %dma_start3A_234 = tpu.memref_slice %arg6[%dma_start3A_230, %dma_start3A_232, %dma_start3A_233] : memref<2x32x1024xf32, #tpu.memory_space<vmem>> -> memref<1x32x1024xf32, #tpu.memory_space<vmem>>
      %dma_start3A_235 = tpu.memref_squeeze %dma_start3A_234 : memref<1x32x1024xf32, #tpu.memory_space<vmem>> -> memref<32x1024xf32, #tpu.memory_space<vmem>>
      %dma_start3A_236 = arith.constant 0 : i32
      %dma_start3A_237 = tpu.memref_slice %arg4[%mul3A_229, %dma_start3A_236] : memref<16384x1024xf32, #tpu.memory_space<hbm>> -> memref<32x1024xf32, #tpu.memory_space<hbm>>
      %dma_start3A_238 = tpu.memref_slice %arg8[%dma_start3A_231] : memref<2x!tpu.dma_semaphore, #tpu.memory_space<semaphore_mem>> -> memref<1x!tpu.dma_semaphore, #tpu.memory_space<semaphore_mem>>
      %dma_start3A_239 = tpu.memref_squeeze %dma_start3A_238 : memref<1x!tpu.dma_semaphore, #tpu.memory_space<semaphore_mem>> -> memref<!tpu.dma_semaphore, #tpu.memory_space<semaphore_mem>>
      %dma_start3A_240 = arith.constant 0 : i32
      %dma_start3A_241 = tpu.memref_slice %arg4[%mul3A_229, %dma_start3A_240] : memref<16384x1024xf32, #tpu.memory_space<hbm>> -> memref<32x1024xf32, #tpu.memory_space<hbm>>
      %dma_start3A_242 = arith.constant 0 : i32
      %dma_start3A_243 = arith.constant 0 : i32
      %dma_start3A_244 = tpu.memref_slice %arg6[%dma_start3A_230, %dma_start3A_242, %dma_start3A_243] : memref<2x32x1024xf32, #tpu.memory_space<vmem>> -> memref<1x32x1024xf32, #tpu.memory_space<vmem>>
      %dma_start3A_245 = tpu.memref_squeeze %dma_start3A_244 : memref<1x32x1024xf32, #tpu.memory_space<vmem>> -> memref<32x1024xf32, #tpu.memory_space<vmem>>
      tpu.enqueue_dma source(%dma_start3A_245 : memref<32x1024xf32, #tpu.memory_space<vmem>>) target(%dma_start3A_241 : memref<32x1024xf32, #tpu.memory_space<hbm>>) target_semaphore(%dma_start3A_239 : memref<!tpu.dma_semaphore, #tpu.memory_space<semaphore_mem>>)
      %mul3A_246 = arith.constant 2 : i32
      %mul3A_247 = arith.muli %scan3A_169, %mul3A_246 : i32
      %add3A_248 = arith.constant 1 : i32
      %add3A_249 = arith.addi %add3A_248, %mul3A_247 : i32
      %add3A_250 = arith.constant 1 : i32
      %add3A_251 = arith.addi %add3A_249, %add3A_250 : i32
      %sub3A_252 = arith.constant 1 : i32
      %sub3A_253 = arith.subi %add3A_251, %sub3A_252 : i32
      %add3A_254 = arith.addi %mul3A_2, %sub3A_253 : i32
      %mul3A_255 = arith.constant 32 : i32
      %mul3A_256 = arith.muli %add3A_254, %mul3A_255 : i32
      %dma_wait3A_257 = arith.constant 1 : i32
      %dma_wait3A_258 = arith.constant 1 : i32
      %dma_wait3A_259 = arith.constant 0 : i32
      %dma_wait3A_260 = arith.constant 0 : i32
      %dma_wait3A_261 = tpu.memref_slice %arg6[%dma_wait3A_257, %dma_wait3A_259, %dma_wait3A_260] : memref<2x32x1024xf32, #tpu.memory_space<vmem>> -> memref<1x32x1024xf32, #tpu.memory_space<vmem>>
      %dma_wait3A_262 = tpu.memref_squeeze %dma_wait3A_261 : memref<1x32x1024xf32, #tpu.memory_space<vmem>> -> memref<32x1024xf32, #tpu.memory_space<vmem>>
      %dma_wait3A_263 = arith.constant 0 : i32
      %dma_wait3A_264 = tpu.memref_slice %arg4[%mul3A_256, %dma_wait3A_263] : memref<16384x1024xf32, #tpu.memory_space<hbm>> -> memref<32x1024xf32, #tpu.memory_space<hbm>>
      %dma_wait3A_265 = tpu.memref_slice %arg8[%dma_wait3A_258] : memref<2x!tpu.dma_semaphore, #tpu.memory_space<semaphore_mem>> -> memref<1x!tpu.dma_semaphore, #tpu.memory_space<semaphore_mem>>
      %dma_wait3A_266 = tpu.memref_squeeze %dma_wait3A_265 : memref<1x!tpu.dma_semaphore, #tpu.memory_space<semaphore_mem>> -> memref<!tpu.dma_semaphore, #tpu.memory_space<semaphore_mem>>
      %dma_wait3A_267 = arith.constant 0 : i32
      %dma_wait3A_268 = tpu.memref_slice %arg4[%mul3A_256, %dma_wait3A_267] : memref<16384x1024xf32, #tpu.memory_space<hbm>> -> memref<32x1024xf32, #tpu.memory_space<hbm>>
      %dma_wait3A_269 = arith.constant 0 : i32
      %dma_wait3A_270 = arith.constant 0 : i32
      %dma_wait3A_271 = tpu.memref_slice %arg6[%dma_wait3A_257, %dma_wait3A_269, %dma_wait3A_270] : memref<2x32x1024xf32, #tpu.memory_space<vmem>> -> memref<1x32x1024xf32, #tpu.memory_space<vmem>>
      %dma_wait3A_272 = tpu.memref_squeeze %dma_wait3A_271 : memref<1x32x1024xf32, #tpu.memory_space<vmem>> -> memref<32x1024xf32, #tpu.memory_space<vmem>>
      tpu.wait_dma2 semaphore(%dma_wait3A_266 : memref<!tpu.dma_semaphore, #tpu.memory_space<semaphore_mem>>) src(%dma_wait3A_272 : memref<32x1024xf32, #tpu.memory_space<vmem>>) dst(%dma_wait3A_268 : memref<32x1024xf32, #tpu.memory_space<hbm>>)
      %add3A_273 = arith.constant 1 : i32
      %add3A_274 = arith.addi %add3A_251, %add3A_273 : i32
      %mul3A_275 = arith.constant 32 : i32
      %mul3A_276 = arith.muli %add3A_274, %mul3A_275 : i32
      %dma_start3A_277 = arith.constant 1 : i32
      %dma_start3A_278 = arith.constant 1 : i32
      %dma_start3A_279 = arith.constant 0 : i32
      %dma_start3A_280 = arith.constant 0 : i32
      %dma_start3A_281 = tpu.memref_slice %arg6[%dma_start3A_277, %dma_start3A_279, %dma_start3A_280] : memref<2x32x1024xf32, #tpu.memory_space<vmem>> -> memref<1x32x1024xf32, #tpu.memory_space<vmem>>
      %dma_start3A_282 = tpu.memref_squeeze %dma_start3A_281 : memref<1x32x1024xf32, #tpu.memory_space<vmem>> -> memref<32x1024xf32, #tpu.memory_space<vmem>>
      %dma_start3A_283 = tpu.memref_slice %arg5[%mul3A_276] : memref<512xi32, #tpu.memory_space<vmem>> -> memref<32xi32, #tpu.memory_space<vmem>>
      %dma_start3A_284 = arith.constant 0 : i32
      %dma_start3A_285 = arith.constant 0 : i32
      %dma_start3A_286 = tpu.memref_slice %arg3[%dma_start3A_284, %dma_start3A_285] : memref<100000x1024xf32, #tpu.memory_space<hbm>> -> memref<100000x1024xf32, #tpu.memory_space<hbm>>
      %dma_start3A_287 = tpu.memref_slice %arg7[%dma_start3A_278] : memref<2x!tpu.dma_semaphore, #tpu.memory_space<semaphore_mem>> -> memref<1x!tpu.dma_semaphore, #tpu.memory_space<semaphore_mem>>
      %dma_start3A_288 = tpu.memref_squeeze %dma_start3A_287 : memref<1x!tpu.dma_semaphore, #tpu.memory_space<semaphore_mem>> -> memref<!tpu.dma_semaphore, #tpu.memory_space<semaphore_mem>>
      tpu.enqueue_indirect_dma source(%dma_start3A_286 : memref<100000x1024xf32, #tpu.memory_space<hbm>>) target(%dma_start3A_282 : memref<32x1024xf32, #tpu.memory_space<vmem>>) offsets(%dma_start3A_283 : memref<32xi32, #tpu.memory_space<vmem>>) semaphore(%dma_start3A_288 : memref<!tpu.dma_semaphore, #tpu.memory_space<semaphore_mem>>)
      %mul3A_289 = arith.constant 32 : i32
      %mul3A_290 = arith.muli %add3A_251, %mul3A_289 : i32
      %dma_wait3A_291 = arith.constant 0 : i32
      %dma_wait3A_292 = arith.constant 0 : i32
      %dma_wait3A_293 = arith.constant 0 : i32
      %dma_wait3A_294 = arith.constant 0 : i32
      %dma_wait3A_295 = tpu.memref_slice %arg6[%dma_wait3A_291, %dma_wait3A_293, %dma_wait3A_294] : memref<2x32x1024xf32, #tpu.memory_space<vmem>> -> memref<1x32x1024xf32, #tpu.memory_space<vmem>>
      %dma_wait3A_296 = tpu.memref_squeeze %dma_wait3A_295 : memref<1x32x1024xf32, #tpu.memory_space<vmem>> -> memref<32x1024xf32, #tpu.memory_space<vmem>>
      %dma_wait3A_297 = tpu.memref_slice %arg5[%mul3A_290] : memref<512xi32, #tpu.memory_space<vmem>> -> memref<32xi32, #tpu.memory_space<vmem>>
      %dma_wait3A_298 = arith.constant 0 : i32
      %dma_wait3A_299 = arith.constant 0 : i32
      %dma_wait3A_300 = tpu.memref_slice %arg3[%dma_wait3A_298, %dma_wait3A_299] : memref<100000x1024xf32, #tpu.memory_space<hbm>> -> memref<100000x1024xf32, #tpu.memory_space<hbm>>
      %dma_wait3A_301 = tpu.memref_slice %arg7[%dma_wait3A_292] : memref<2x!tpu.dma_semaphore, #tpu.memory_space<semaphore_mem>> -> memref<1x!tpu.dma_semaphore, #tpu.memory_space<semaphore_mem>>
      %dma_wait3A_302 = tpu.memref_squeeze %dma_wait3A_301 : memref<1x!tpu.dma_semaphore, #tpu.memory_space<semaphore_mem>> -> memref<!tpu.dma_semaphore, #tpu.memory_space<semaphore_mem>>
      tpu.wait_indirect_dma semaphore(%dma_wait3A_302 : memref<!tpu.dma_semaphore, #tpu.memory_space<semaphore_mem>>) src(%dma_wait3A_300 : memref<100000x1024xf32, #tpu.memory_space<hbm>>) dst(%dma_wait3A_296 : memref<32x1024xf32, #tpu.memory_space<vmem>>)
      %add3A_303 = arith.addi %mul3A_2, %add3A_251 : i32
      %mul3A_304 = arith.constant 32 : i32
      %mul3A_305 = arith.muli %add3A_303, %mul3A_304 : i32
      %dma_start3A_306 = arith.constant 0 : i32
      %dma_start3A_307 = arith.constant 0 : i32
      %dma_start3A_308 = arith.constant 0 : i32
      %dma_start3A_309 = arith.constant 0 : i32
      %dma_start3A_310 = tpu.memref_slice %arg6[%dma_start3A_306, %dma_start3A_308, %dma_start3A_309] : memref<2x32x1024xf32, #tpu.memory_space<vmem>> -> memref<1x32x1024xf32, #tpu.memory_space<vmem>>
      %dma_start3A_311 = tpu.memref_squeeze %dma_start3A_310 : memref<1x32x1024xf32, #tpu.memory_space<vmem>> -> memref<32x1024xf32, #tpu.memory_space<vmem>>
      %dma_start3A_312 = arith.constant 0 : i32
      %dma_start3A_313 = tpu.memref_slice %arg4[%mul3A_305, %dma_start3A_312] : memref<16384x1024xf32, #tpu.memory_space<hbm>> -> memref<32x1024xf32, #tpu.memory_space<hbm>>
      %dma_start3A_314 = tpu.memref_slice %arg8[%dma_start3A_307] : memref<2x!tpu.dma_semaphore, #tpu.memory_space<semaphore_mem>> -> memref<1x!tpu.dma_semaphore, #tpu.memory_space<semaphore_mem>>
      %dma_start3A_315 = tpu.memref_squeeze %dma_start3A_314 : memref<1x!tpu.dma_semaphore, #tpu.memory_space<semaphore_mem>> -> memref<!tpu.dma_semaphore, #tpu.memory_space<semaphore_mem>>
      %dma_start3A_316 = arith.constant 0 : i32
      %dma_start3A_317 = tpu.memref_slice %arg4[%mul3A_305, %dma_start3A_316] : memref<16384x1024xf32, #tpu.memory_space<hbm>> -> memref<32x1024xf32, #tpu.memory_space<hbm>>
      %dma_start3A_318 = arith.constant 0 : i32
      %dma_start3A_319 = arith.constant 0 : i32
      %dma_start3A_320 = tpu.memref_slice %arg6[%dma_start3A_306, %dma_start3A_318, %dma_start3A_319] : memref<2x32x1024xf32, #tpu.memory_space<vmem>> -> memref<1x32x1024xf32, #tpu.memory_space<vmem>>
      %dma_start3A_321 = tpu.memref_squeeze %dma_start3A_320 : memref<1x32x1024xf32, #tpu.memory_space<vmem>> -> memref<32x1024xf32, #tpu.memory_space<vmem>>
      tpu.enqueue_dma source(%dma_start3A_321 : memref<32x1024xf32, #tpu.memory_space<vmem>>) target(%dma_start3A_317 : memref<32x1024xf32, #tpu.memory_space<hbm>>) target_semaphore(%dma_start3A_315 : memref<!tpu.dma_semaphore, #tpu.memory_space<semaphore_mem>>)
    }
    %scan3A_95 = arith.constant 7 : i32
    %dma_wait3A_96 = arith.constant 1 : i32
    %dma_wait3A_97 = arith.constant 1 : i32
    %dma_wait3A_98 = arith.constant 0 : i32
    %dma_wait3A_99 = arith.constant 0 : i32
    %dma_wait3A_100 = tpu.memref_slice %arg6[%dma_wait3A_96, %dma_wait3A_98, %dma_wait3A_99] : memref<2x32x1024xf32, #tpu.memory_space<vmem>> -> memref<1x32x1024xf32, #tpu.memory_space<vmem>>
    %dma_wait3A_101 = tpu.memref_squeeze %dma_wait3A_100 : memref<1x32x1024xf32, #tpu.memory_space<vmem>> -> memref<32x1024xf32, #tpu.memory_space<vmem>>
    %dma_wait3A_102 = arith.constant 480 : i32
    %dma_wait3A_103 = tpu.memref_slice %arg5[%dma_wait3A_102] : memref<512xi32, #tpu.memory_space<vmem>> -> memref<32xi32, #tpu.memory_space<vmem>>
    %dma_wait3A_104 = arith.constant 0 : i32
    %dma_wait3A_105 = arith.constant 0 : i32
    %dma_wait3A_106 = tpu.memref_slice %arg3[%dma_wait3A_104, %dma_wait3A_105] : memref<100000x1024xf32, #tpu.memory_space<hbm>> -> memref<100000x1024xf32, #tpu.memory_space<hbm>>
    %dma_wait3A_107 = tpu.memref_slice %arg7[%dma_wait3A_97] : memref<2x!tpu.dma_semaphore, #tpu.memory_space<semaphore_mem>> -> memref<1x!tpu.dma_semaphore, #tpu.memory_space<semaphore_mem>>
    %dma_wait3A_108 = tpu.memref_squeeze %dma_wait3A_107 : memref<1x!tpu.dma_semaphore, #tpu.memory_space<semaphore_mem>> -> memref<!tpu.dma_semaphore, #tpu.memory_space<semaphore_mem>>
    tpu.wait_indirect_dma semaphore(%dma_wait3A_108 : memref<!tpu.dma_semaphore, #tpu.memory_space<semaphore_mem>>) src(%dma_wait3A_106 : memref<100000x1024xf32, #tpu.memory_space<hbm>>) dst(%dma_wait3A_101 : memref<32x1024xf32, #tpu.memory_space<vmem>>)
    %add3A_109 = arith.constant 15 : i32
    %add3A_110 = arith.addi %mul3A_2, %add3A_109 : i32
    %mul3A_111 = arith.constant 32 : i32
    %mul3A_112 = arith.muli %add3A_110, %mul3A_111 : i32
    %dma_start3A_113 = arith.constant 1 : i32
    %dma_start3A_114 = arith.constant 1 : i32
    %dma_start3A_115 = arith.constant 0 : i32
    %dma_start3A_116 = arith.constant 0 : i32
    %dma_start3A_117 = tpu.memref_slice %arg6[%dma_start3A_113, %dma_start3A_115, %dma_start3A_116] : memref<2x32x1024xf32, #tpu.memory_space<vmem>> -> memref<1x32x1024xf32, #tpu.memory_space<vmem>>
    %dma_start3A_118 = tpu.memref_squeeze %dma_start3A_117 : memref<1x32x1024xf32, #tpu.memory_space<vmem>> -> memref<32x1024xf32, #tpu.memory_space<vmem>>
    %dma_start3A_119 = arith.constant 0 : i32
    %dma_start3A_120 = tpu.memref_slice %arg4[%mul3A_112, %dma_start3A_119] : memref<16384x1024xf32, #tpu.memory_space<hbm>> -> memref<32x1024xf32, #tpu.memory_space<hbm>>
    %dma_start3A_121 = tpu.memref_slice %arg8[%dma_start3A_114] : memref<2x!tpu.dma_semaphore, #tpu.memory_space<semaphore_mem>> -> memref<1x!tpu.dma_semaphore, #tpu.memory_space<semaphore_mem>>
    %dma_start3A_122 = tpu.memref_squeeze %dma_start3A_121 : memref<1x!tpu.dma_semaphore, #tpu.memory_space<semaphore_mem>> -> memref<!tpu.dma_semaphore, #tpu.memory_space<semaphore_mem>>
    %dma_start3A_123 = arith.constant 0 : i32
    %dma_start3A_124 = tpu.memref_slice %arg4[%mul3A_112, %dma_start3A_123] : memref<16384x1024xf32, #tpu.memory_space<hbm>> -> memref<32x1024xf32, #tpu.memory_space<hbm>>
    %dma_start3A_125 = arith.constant 0 : i32
    %dma_start3A_126 = arith.constant 0 : i32
    %dma_start3A_127 = tpu.memref_slice %arg6[%dma_start3A_113, %dma_start3A_125, %dma_start3A_126] : memref<2x32x1024xf32, #tpu.memory_space<vmem>> -> memref<1x32x1024xf32, #tpu.memory_space<vmem>>
    %dma_start3A_128 = tpu.memref_squeeze %dma_start3A_127 : memref<1x32x1024xf32, #tpu.memory_space<vmem>> -> memref<32x1024xf32, #tpu.memory_space<vmem>>
    tpu.enqueue_dma source(%dma_start3A_128 : memref<32x1024xf32, #tpu.memory_space<vmem>>) target(%dma_start3A_124 : memref<32x1024xf32, #tpu.memory_space<hbm>>) target_semaphore(%dma_start3A_122 : memref<!tpu.dma_semaphore, #tpu.memory_space<semaphore_mem>>)
    %add3A_129 = arith.constant 14 : i32
    %add3A_130 = arith.addi %mul3A_2, %add3A_129 : i32
    %mul3A_131 = arith.constant 32 : i32
    %mul3A_132 = arith.muli %add3A_130, %mul3A_131 : i32
    %dma_wait3A_133 = arith.constant 0 : i32
    %dma_wait3A_134 = arith.constant 0 : i32
    %dma_wait3A_135 = arith.constant 0 : i32
    %dma_wait3A_136 = arith.constant 0 : i32
    %dma_wait3A_137 = tpu.memref_slice %arg6[%dma_wait3A_133, %dma_wait3A_135, %dma_wait3A_136] : memref<2x32x1024xf32, #tpu.memory_space<vmem>> -> memref<1x32x1024xf32, #tpu.memory_space<vmem>>
    %dma_wait3A_138 = tpu.memref_squeeze %dma_wait3A_137 : memref<1x32x1024xf32, #tpu.memory_space<vmem>> -> memref<32x1024xf32, #tpu.memory_space<vmem>>
    %dma_wait3A_139 = arith.constant 0 : i32
    %dma_wait3A_140 = tpu.memref_slice %arg4[%mul3A_132, %dma_wait3A_139] : memref<16384x1024xf32, #tpu.memory_space<hbm>> -> memref<32x1024xf32, #tpu.memory_space<hbm>>
    %dma_wait3A_141 = tpu.memref_slice %arg8[%dma_wait3A_134] : memref<2x!tpu.dma_semaphore, #tpu.memory_space<semaphore_mem>> -> memref<1x!tpu.dma_semaphore, #tpu.memory_space<semaphore_mem>>
    %dma_wait3A_142 = tpu.memref_squeeze %dma_wait3A_141 : memref<1x!tpu.dma_semaphore, #tpu.memory_space<semaphore_mem>> -> memref<!tpu.dma_semaphore, #tpu.memory_space<semaphore_mem>>
    %dma_wait3A_143 = arith.constant 0 : i32
    %dma_wait3A_144 = tpu.memref_slice %arg4[%mul3A_132, %dma_wait3A_143] : memref<16384x1024xf32, #tpu.memory_space<hbm>> -> memref<32x1024xf32, #tpu.memory_space<hbm>>
    %dma_wait3A_145 = arith.constant 0 : i32
    %dma_wait3A_146 = arith.constant 0 : i32
    %dma_wait3A_147 = tpu.memref_slice %arg6[%dma_wait3A_133, %dma_wait3A_145, %dma_wait3A_146] : memref<2x32x1024xf32, #tpu.memory_space<vmem>> -> memref<1x32x1024xf32, #tpu.memory_space<vmem>>
    %dma_wait3A_148 = tpu.memref_squeeze %dma_wait3A_147 : memref<1x32x1024xf32, #tpu.memory_space<vmem>> -> memref<32x1024xf32, #tpu.memory_space<vmem>>
    tpu.wait_dma2 semaphore(%dma_wait3A_142 : memref<!tpu.dma_semaphore, #tpu.memory_space<semaphore_mem>>) src(%dma_wait3A_148 : memref<32x1024xf32, #tpu.memory_space<vmem>>) dst(%dma_wait3A_144 : memref<32x1024xf32, #tpu.memory_space<hbm>>)
    %add3A_149 = arith.constant 15 : i32
    %add3A_150 = arith.addi %mul3A_2, %add3A_149 : i32
    %mul3A_151 = arith.constant 32 : i32
    %mul3A_152 = arith.muli %add3A_150, %mul3A_151 : i32
    %dma_wait3A_153 = arith.constant 1 : i32
    %dma_wait3A_154 = arith.constant 1 : i32
    %dma_wait3A_155 = arith.constant 0 : i32
    %dma_wait3A_156 = arith.constant 0 : i32
    %dma_wait3A_157 = tpu.memref_slice %arg6[%dma_wait3A_153, %dma_wait3A_155, %dma_wait3A_156] : memref<2x32x1024xf32, #tpu.memory_space<vmem>> -> memref<1x32x1024xf32, #tpu.memory_space<vmem>>
    %dma_wait3A_158 = tpu.memref_squeeze %dma_wait3A_157 : memref<1x32x1024xf32, #tpu.memory_space<vmem>> -> memref<32x1024xf32, #tpu.memory_space<vmem>>
    %dma_wait3A_159 = arith.constant 0 : i32
    %dma_wait3A_160 = tpu.memref_slice %arg4[%mul3A_152, %dma_wait3A_159] : memref<16384x1024xf32, #tpu.memory_space<hbm>> -> memref<32x1024xf32, #tpu.memory_space<hbm>>
    %dma_wait3A_161 = tpu.memref_slice %arg8[%dma_wait3A_154] : memref<2x!tpu.dma_semaphore, #tpu.memory_space<semaphore_mem>> -> memref<1x!tpu.dma_semaphore, #tpu.memory_space<semaphore_mem>>
    %dma_wait3A_162 = tpu.memref_squeeze %dma_wait3A_161 : memref<1x!tpu.dma_semaphore, #tpu.memory_space<semaphore_mem>> -> memref<!tpu.dma_semaphore, #tpu.memory_space<semaphore_mem>>
    %dma_wait3A_163 = arith.constant 0 : i32
    %dma_wait3A_164 = tpu.memref_slice %arg4[%mul3A_152, %dma_wait3A_163] : memref<16384x1024xf32, #tpu.memory_space<hbm>> -> memref<32x1024xf32, #tpu.memory_space<hbm>>
    %dma_wait3A_165 = arith.constant 0 : i32
    %dma_wait3A_166 = arith.constant 0 : i32
    %dma_wait3A_167 = tpu.memref_slice %arg6[%dma_wait3A_153, %dma_wait3A_165, %dma_wait3A_166] : memref<2x32x1024xf32, #tpu.memory_space<vmem>> -> memref<1x32x1024xf32, #tpu.memory_space<vmem>>
    %dma_wait3A_168 = tpu.memref_squeeze %dma_wait3A_167 : memref<1x32x1024xf32, #tpu.memory_space<vmem>> -> memref<32x1024xf32, #tpu.memory_space<vmem>>
    tpu.wait_dma2 semaphore(%dma_wait3A_162 : memref<!tpu.dma_semaphore, #tpu.memory_space<semaphore_mem>>) src(%dma_wait3A_168 : memref<32x1024xf32, #tpu.memory_space<vmem>>) dst(%dma_wait3A_164 : memref<32x1024xf32, #tpu.memory_space<hbm>>)
    return
  }
}

</mosaic_0001>

<sc_bundles>
// kernel: kernel.3.cloned.1.call-start
scs
__scs_entry_jumppad:
0x0: {  	(pc) =	sbr.rel $0x88, $3  }
0x1: {  	(tag) =	ssettag $0x0;
	lr =	simm.s32 $0x1  }
0x2: {  	[smem:$0x3F9F] =	sst lr;
	_ =	strace $0xD0000000  }
0x3: {  	_ = 	snop  }
0x4: {  	_ = 	snop  }
0x5: {  	_ = 	snop  }
0x6: {  	_ = 	snop  }
0x7: {  	_ = 	snop  }
__scs_overlays_trampoline_lowered:
0x8: {  	[smem:$0x3FAE] =	sst s0  }
0x9: {  	[smem:$0x3FAF] =	sst s1  }
0xa: {  	[smem:$0x3FB0] =	sst s2  }
0xb: {  	[smem:$0x3FB1] =	sst s3  }
0xc: {  	[smem:$0x3FB2] =	sst s4  }
0xd: {  	[smem:$0x3FB3] =	sst s5  }
0xe: {  	[smem:$0x3FB4] =	sst s6  }
0xf: {  	[smem:$0x3FB5] =	sst s7  }
0x10: {  	[smem:$0x3FB6] =	sst s8  }
0x11: {  	[smem:$0x3FB7] =	sst s9;
	s0 =	simm.s32 @!p0 $0x0  }
0x12: {  	s1 =	sld [smem:$0x3F9D];
	s0 =	simm.s32 @p0 $0x1  }
0x13: {  	[smem:$0x3FB8] =	sst s0;
	s0 =	simm.s32 @!p1 $0x0  }
0x14: {  	s2 =	sld [smem:$0x3F9C];
	s0 =	simm.s32 @p1 $0x1  }
0x15: {  	[smem:$0x3FB9] =	sst s0;
	s0 =	simm.s32 @!p2 $0x0  }
0x16: {  	s3 =	sld [smem:$0x3FDB];
	s0 =	simm.s32 @p2 $0x1  }
0x17: {  	s4 =	simm.s32 $0x1BF5;
	[smem:$0x3FBB] =	sst s0  }
0x18: {  	s0 =	sld [smem:$0x3F9E];
	_ =	swait.ge [sflag:s4], $0x0  }
0x19: {  	s7 =	sld [smem:$0x3F9F]  }
0x1a: {  	s8 =	sadd.s32 $0xFFFFE003, lr  }
0x1b: {  	s9 =	sadd.s32 $0xFFFFFEF7, lr;
	s5 =	simm.s32 $0xFFFFFFFF;
	p2 =	slt.u32 s8, $0xFFFFF086  }
0x1c: {  	p1 =	slt.u32 s9, $0xF7A;
	s5 =	simm.s32 @!p2 $0x0  }
0x1d: {  	s5 =	simm.s32 @p1 $0x1;
	p0 =	seq.s32 s7, s2  }
0x1e: {  	s7 =	smul.u32 @!p0 $0xF7A, s2;
	p2 =	seq.s32 @!p0 s5, $0x0  }
0x1f: {  	s9 =	smul.u32 $0xF7A, s1;
	s8 =	simm.s32 @!p0 $0x1BF5;
	p2 =	por !p2, p0  }
0x20: {  	[sflag:s8] =	ssyncset.s32 @!p0 $0xFFFFF086;
	s6 =	sadd.s32 @!p0 s3, s7;
	s7 =	simm.s32 @!p0 $0x108  }
0x21: {  	s3 =	sadd.s32 s3, s9;
	s6 =	sadd.s32 @!p0 $0x88, s6;
	s7 =	simm.s32 @p2 $0x1082  }
0x22: {  	[simem:s7], [sflag:s8] =	dma.local @!p0 [hbm:s6], $0xF7A  }
0x23: {  	s9 =	sor.u32 $0xD0000000, s2;
	s6 =	simm.s32 $0x108;
	_ =	swait.ge @!p0 [sflag:s8], $0x0  }
0x24: {  	s3 =	sadd.s32 $0x88, s3;
	s6 =	simm.s32 @!p1 $0x1082;
	[sflag:s4] =	ssyncset.s32 $0xFFFFF086  }
0x25: {  	[simem:s6], [sflag:s4] =	dma.local [hbm:s3], $0xF7A  }
0x26: {  	[smem:$0x3F9F] =	sst s1;
	(tag) =	ssettag s2;
	_ =	strace s9  }
0x27: {  	s1 =	sld [smem:$0x3FAF]  }
0x28: {  	s2 =	sld [smem:$0x3FB0]  }
0x29: {  	s4 =	sld [smem:$0x3FB2]  }
0x2a: {  	p0 =	seq.s32 s5, $0x0;
	s5 =	sld [smem:$0x3FB3]  }
0x2b: {  	s6 =	sld [smem:$0x3FB4]  }
0x2c: {  	s7 =	sld [smem:$0x3FB5]  }
0x2d: {  	s3 =	simm.s32 $0x108;
	s8 =	sld [smem:$0x3FB6]  }
0x2e: {  	s3 =	simm.s32 @!p0 $0x1082;
	s9 =	sld [smem:$0x3FB7]  }
0x2f: {  	lr =	sadd.s32 s0, s3;
	s0 =	sld [smem:$0x3FAE]  }
0x30: {  	s3 =	sld [smem:$0x3FB1]  }
0x31: {  	[smem:$0x3FBA] =	sst s10  }
0x32: {  	s10 =	sld [smem:$0x3FB8];
	_ =	sdelay $0x3  }
0x33: {  	p0 =	seq.s32 s10, $0x1;
	s10 =	sld [smem:$0x3FBA];
	_ =	sdelay $0x3  }
0x34: {  	[smem:$0x3FBA] =	sst s10  }
0x35: {  	s10 =	sld [smem:$0x3FB9];
	_ =	sdelay $0x3  }
0x36: {  	p1 =	seq.s32 s10, $0x1;
	s10 =	sld [smem:$0x3FBA];
	_ =	sdelay $0x3  }
0x37: {  	[smem:$0x3FBA] =	sst s10  }
0x38: {  	s10 =	sld [smem:$0x3FBB]  }
0x39: {  	_ = 	snop;
	(pc) =	sbr.ind lr, $3  }
0x3a: {  	_ = 	snop  }
0x3b: {  	_ = 	snop  }
0x3c: {  	p2 =	seq.s32 s10, $0x1;
	s10 =	sld [smem:$0x3FBA]  }
0x3d: {  	_ =	shalt  }
0x3e: {  	_ =	shalt  }
0x3f: {  	_ =	shalt  }
0x40: {  	_ =	shalt  }
0x41: {  	_ =	shalt  }
0x42: {  	_ =	shalt  }
0x43: {  	_ =	shalt  }
0x44: {  	_ =	shalt  }
0x45: {  	_ =	shalt  }
0x46: {  	_ =	shalt  }
0x47: {  	_ =	shalt  }
0x48: {  	_ =	shalt  }
0x49: {  	_ =	shalt  }
0x4a: {  	_ =	shalt  }
0x4b: {  	_ =	shalt  }
0x4c: {  	_ =	shalt  }
0x4d: {  	_ =	shalt  }
0x4e: {  	_ =	shalt  }
0x4f: {  	_ =	shalt  }
0x50: {  	_ =	shalt  }
0x51: {  	_ =	shalt  }
0x52: {  	_ =	shalt  }
0x53: {  	_ =	shalt  }
0x54: {  	_ =	shalt  }
0x55: {  	_ =	shalt  }
0x56: {  	_ =	shalt  }
0x57: {  	_ =	shalt  }
0x58: {  	_ =	shalt  }
0x59: {  	_ =	shalt  }
0x5a: {  	_ =	shalt  }
0x5b: {  	_ =	shalt  }
0x5c: {  	_ =	shalt  }
0x5d: {  	_ =	shalt  }
0x5e: {  	_ =	shalt  }
0x5f: {  	_ =	shalt  }
0x60: {  	_ =	shalt  }
0x61: {  	_ =	shalt  }
0x62: {  	_ =	shalt  }
0x63: {  	_ =	shalt  }
0x64: {  	_ =	shalt  }
0x65: {  	_ =	shalt  }
0x66: {  	_ =	shalt  }
0x67: {  	_ =	shalt  }
0x68: {  	_ =	shalt  }
0x69: {  	_ =	shalt  }
0x6a: {  	_ =	shalt  }
0x6b: {  	_ =	shalt  }
0x6c: {  	_ =	shalt  }
0x6d: {  	_ =	shalt  }
0x6e: {  	_ =	shalt  }
0x6f: {  	_ =	shalt  }
0x70: {  	_ =	shalt  }
0x71: {  	_ =	shalt  }
0x72: {  	_ =	shalt  }
0x73: {  	_ =	shalt  }
0x74: {  	_ =	shalt  }
0x75: {  	_ =	shalt  }
0x76: {  	_ =	shalt  }
0x77: {  	_ =	shalt  }
0x78: {  	_ =	shalt  }
0x79: {  	_ =	shalt  }
0x7a: {  	_ =	shalt  }
0x7b: {  	_ =	shalt  }
0x7c: {  	_ =	shalt  }
0x7d: {  	_ =	shalt  }
0x7e: {  	_ =	shalt  }
0x7f: {  	_ =	shalt  }
0x80: {  	_ =	shalt  }
0x81: {  	_ =	shalt  }
0x82: {  	_ =	shalt  }
0x83: {  	_ =	shalt  }
0x84: {  	_ =	shalt  }
0x85: {  	_ =	shalt  }
0x86: {  	_ =	shalt  }
0x87: {  	_ =	shalt  }
.Lfunc_end0:
.L_simem_size_0:
called_computation_lowered:
.L_overlay_start_0:
0x88: {  	s2 =	sld [smem:$0x3FD9]  }
0x89: {  	s3 =	sld [smem:$0x3FFE];
	_ =	sdelay $0x1  }
0x8a: {  	s1 =	srdreg.scid  }
0x8b: {  	s0 =	sand.u32 $0x1, s1  }
0x8c: {  	s18 =	sshll.u32 s0, $0xA;
	s2 =	sadd.s32 s3, s2  }
0x8d: {  	s2 =	sadd.s32 s2, s18  }
0x8e: {  	[smem:$0x3FC6] =	sst s2  }
0x8f: {  	_ = 	snop  }
0x90: {  	s2 =	sld [smem:$0x3FC9]  }
0x91: {  	s19 =	sld [smem:$0x3FC8]  }
0x92: {  	s4 =	sld [smem:$0x3FD0];
	(tm) =	ssettm $0x1  }
0x93: {  	s5 =	sld [smem:$0x3FFB];
	_ =	sdelay $0x3  }
0x94: {  	_ =	strace s5  }
0x95: {  	s5 =	sld [smem:$0x3FFC];
	_ =	sdelay $0x3  }
0x96: {  	_ =	strace s5  }
0x97: {  	s5 =	sld [smem:$0x3FFD];
	_ =	sdelay $0x3  }
0x98: {  	_ =	strace s5  }
0x99: {  	_ =	strace $0x8FFFFFFF  }
0x9a: {  	s20 =	sld [smem:$0x3FDB];
	_ =	sdelay $0x1  }
0x9b: {  	s6 =	simm.s32 $_scs_section_size  }
0x9c: {  	s7 =	simm.s32 $_size__tile_overlayer_lowered;
	s8 =	simm.s32 $_tile_overlayer_lowered  }
0x9d: {  	s23 =	simm.s32 $0x1BFF;
	s22 =	sshll.u32 s8, $0x1;
	s5 =	sadd.s32 s6, s20  }
0x9e: {  	s9 =	simm.s32 $0x0;
	s21 =	sshll.u32 s7, $0x1;
	s7 =	sadd.s32 s22, s5  }
0x9f: {  	[timem:s9], [sflag:s23] =	dma.local [hbm:s7], s21  }
0xa0: {  	_ =	swait.ge [sflag:s23], s21  }
0xa1: {  	s6 =	ssub.s32 $0x0, s21;
	[sflag:s23] =	ssyncset.done $0x0  }
0xa2: {  	[sflag:s23] =	ssyncadd.s32 s6;
	_ =	sdelay $0x1  }
0xa3: {  	s24 =	simm.s32 $0x1B8B  }
0xa4: {  	_ =	swait.ge [sflag:s24], $0x1  }
0xa5: {  	[sflag:s24] =	ssyncset.done $0x0  }
0xa6: {  	s25 =	simm.s32 $0x1B8E;
	[sflag:s24] =	ssyncadd.s32 $0xFFFFFFFF  }
0xa7: {  	s26 =	simm.s32 $execute0_lowered;
	[smem:$0x3FD2] =	sst s25  }
0xa8: {  	s6 =	sshll.u32 s26, $0x1;
	_ =	strace $0x80000046;
	[dreg:$0x1] =	wrdreg $0xFFFFFFFF  }
0xa9: {  	s28 =	simm.s32 $_size_execute0_lowered;
	s5 =	sadd.s32 s5, s6;
	[dreg:$0x0] =	wrdreg $0x0  }
0xaa: {  	s6 =	sshll.u32 s28, $0x1;
	[dreg:$0x2] =	wrdreg s5  }
0xab: {  	[dreg:$0x3] =	wrdreg s6  }
0xac: {  	[dreg:$0x4] =	wrdreg $0xC0  }
0xad: {  	_ =	task [dreg:s9], $0x5FFFF  }
0xae: {  	[dreg:$0x1] =	wrdreg $0xFFFFFFFF  }
0xaf: {  	[dreg:$0x0] =	wrdreg $0x60  }
0xb0: {  	[dreg:$0x2] =	wrdreg s2  }
0xb1: {  	[dreg:$0x3] =	wrdreg s19  }
0xb2: {  	[dreg:$0x4] =	wrdreg s4  }
0xb3: {  	[dreg:$0x5] =	wrdreg $0x9  }
0xb4: {  	_ =	task.clear_ibuf [dreg:s9], $0x6FFFF;
	_ =	strace $0x90000046  }
0xb5: {  	s29 =	simm.s32 $0x9;
	_ =	strace $0x80000048  }
0xb6: {  	_ =	swait.ge [sflag:s29], $0x1  }
0xb7: {  	[sflag:s29] =	ssyncadd.s32 $0xFFFFFFFF  }
0xb8: {  	_ =	strace $0x90000048  }
0xb9: {  	_ =	sfence  }
0xba: {  	s30 =	sld [smem:$0x0];
	_ =	sdelay $0x2  }
0xbb: {  	s31 =	sshll.u32 s1, $0xD;
	s1 =	sshrl.u32 s1, $0x2  }
0xbc: {  	s3 =	sand.u32 $0x4000, s31;
	s1 =	sadd.s32 s1, s30  }
0xbd: {  	s0 =	sor.u32 s3, s0;
	s1 =	sshll.u32 s1, $0x11  }
0xbe: {  	s0 =	sor.u32 s1, s0  }
0xbf: {  	s0 =	sadd.s32 $0x8F2B, s0  }
0xc0: {  	[sflag:s0] =	ssyncadd.remote.s32 $0x1  }
0xc1: {  	_ =	sfence.sel $0xFFFF  }
0xc2: {  	[dreg:$0x0] =	wrdreg $0xFFFFFFFF;
	(pc) =	sbr.abs _section_cstart, $3  }
0xc3: {  	[dreg:$0x1] =	wrdreg $0xFFFFFFFF  }
0xc4: {  	_ =	task.clear_ibuf [dreg:s9], $0x2FFFF;
	_ =	strace $0x9FFFFFFF  }
0xc5: {  	(tm) =	ssettm $0x7FFFFFFF  }
tec
execute0_lowered:
.L_overlay_start_1:
0x0: {  	(tag) =	ssettag $0x1  }
0x1: {  	s0 =	rddreg [dreg:$0x0]  }
0x2: {  	s1 =	rddreg [dreg:$0x1]  }
0x3: {  	s2 =	rddreg [dreg:$0x2]  }
0x4: {  	s3 =	simm.s32 $0x0;
	s4 =	srdreg.scid;
	s10 =	stileid.u32  }
0x5: {  	s12 =	simm.s32 $0x200;
	s30 =	simm.s32 $0x8200;
	s20 =	simm.s32 $0x1  }
0x6: {  	s15 =	simm.s32 $0x7200;
	s16 =	simm.s32 $0x7A00;
	s17 =	simm.s32 $0x8A00  }
0x7: {  	s18 =	simm.s32 $0x9200;
	s19 =	simm.s32 $0x9A00;
	s28 =	simm.s32 $0xA200  }
0x8: {  	s29 =	simm.s32 $0xAA00;
	s31 =	simm.s32 $0xB200;
	s11 =	simm.s32 $0xCA00  }
0x9: {  	s13 =	simm.s32 $0xF200;
	s14 =	simm.s32 $0xFA00;
	[smem:$0x7FF] =	sst s3  }
0xa: {  	s4 =	sand.u32 $0x1, s4;
	s5 =	sshll.u32 s10, $0x1;
	s7 =	sshll.u32 s10, $0x2  }
0xb: {  	s22 =	sshll.u32 s10, $0x11;
	s10 =	simm.s32 $0xE200;
	_ =	strace $0x80000047  }
0xc: {  	s8 =	sor.u32 s4, s5;
	s21 =	ssub.s32 $0x2, s4;
	s7 =	sand.u32 $0x30, s7  }
0xd: {  	s4 =	sshll.u32 s4, $0x10;
	s5 =	sadd.s32 $0x100, s1;
	s6 =	sshll.u32 s8, $0x8  }
0xe: {  	s9 =	sshrl.u32 s21, $0x1;
	s0 =	sadd.s32 s0, s7;
	s23 =	sor.u32 s4, s22  }
0xf: {  	s7 =	sadd.s32 $0x300, s1;
	s24 =	sshll.u32 s8, $0x10;
	s22 =	simm.s32 $0x2  }
0x10: {  	s4 =	simm.s32 $0xD200;
	s8 =	simm.s32 $0xEA00;
	s6 =	sand.u32 $0x700, s6  }
0x11: {  	s9 =	ssub.s32 s21, s9;
	s21 =	simm.s32 $0x3;
	s0 =	sadd.s32 s6, s0  }
0x12: {  	s6 =	sadd.s32 $0x200, s1;
	s26 =	smax.u32 s9, $0x1;
	[dreg:$0x6] =	wrdreg s0  }
0x13: {  	s0 =	sadd.s32 s23, s2;
	s2 =	sadd.s32 s2, s24;
	[dreg:$0x9] =	wrdreg s26  }
0x14: {  	s9 =	simm.s32 $0xDA00;
	s25 =	sadd.s32 $0x2000, s0;
	[dreg:$0x7] =	wrdreg s2  }
0x15: {  	v2 =	vlaneseq.u32;
	s26 =	simm.s32 $0xA00;
	s2 =	sadd.s32 $0xF000, s2;
	[dreg:$0x4] =	wrdreg s25  }
0x16: {  	vm0 =	vmmov $0xffff;
	v1 =	vshrl.u32 v2, $0x3;
	s23 =	simm.s32 $0x4;
	s0 =	sadd.s32 $0x1000, s0;
	[dreg:$0x8] =	wrdreg s2  }
0x17: {  	v0 =	vand.u32 $0x7, v2;
	v2 =	vor.u32 $0x8, v2;
	v1 =	vmul.u32 $0x8, v1;
	[dreg:$0x5] =	wrdreg s0;
	s0 =	simm.s32 $0x0;
	s2 =	simm.s32 $0xC200  }
.LBB2_1:
0x18: {  	[dreg:$0xa] =	wrdreg s0  }
0x19: {  	s24 =	rddreg [dreg:$0x6];
	s25 =	simm.s32 $0x80;
	s0 =	simm.s32 $0x5  }
0x1a: {  	[tilespmem:s3], [sflag:$0x5] =	stream.strided.gather [hbm4b:s24+s25], $0x200, s12, s25, $0x38;
	[tilespmem:$0x10200] =	vst v63  }
0x1b: {  	_ =	swait.ge [sflag:s0], $0x200  }
0x1c: {  	[sflag:s0] =	ssyncset.done $0x0  }
0x1d: {  	[sflag:s0] =	ssyncadd.s32 $0xFFFFFE00  }
0x1e: {  	v3 =	vld [tilespmem:$0x0];
	_ =	sdelay $0x4  }
0x1f: {  	v4 =	vshll.u32 v3, $0x3  }
0x20: {  	v3 =	vand.u32 $0x7, v3;
	v4 =	vand.u32 $0xFFFFFFC0, v4  }
0x21: {  	v3 =	vor.u32 v3, v4  }
0x22: {  	v4 =	vperm.xlane v3, v0;
	_ =	sdelay $0x1  }
0x23: {  	v4 =	vadd.s32 v1, v4;
	_ =	sdelay $0x4  }
0x24: {  	[tilespmem:s12], [sflag:$0x1] =	stream.indirect_vreg.gather [hbm4b:s1+s3], $0x80, v4, vm0, $0xb8;
	[tilespmem:$0x10200] =	vst v63  }
0x25: {  	v3 =	vperm.xlane v3, v2  }
0x26: {  	[tilespmem:s26], [sflag:$0x1] =	stream.indirect_vreg.gather [hbm4b:s5+s3], $0x80, v4, vm0, $0xb8;
	[tilespmem:$0x10200] =	vst v63  }
0x27: {  	s25 =	simm.s32 $0x1200;
	v3 =	vadd.s32 v1, v3  }
0x28: {  	[tilespmem:s25], [sflag:$0x1] =	stream.indirect_vreg.gather [hbm4b:s6+s3], $0x80, v4, vm0, $0xb8;
	[tilespmem:$0x10200] =	vst v63  }
0x29: {  	s24 =	simm.s32 $0x1A00  }
0x2a: {  	[tilespmem:s24], [sflag:$0x1] =	stream.indirect_vreg.gather [hbm4b:s7+s3], $0x80, v4, vm0, $0xb8;
	[tilespmem:$0x10200] =	vst v63  }
0x2b: {  	s25 =	simm.s32 $0x2200  }
0x2c: {  	[tilespmem:s25], [sflag:$0x1] =	stream.indirect_vreg.gather [hbm4b:s1+s3], $0x80, v3, vm0, $0xb8;
	[tilespmem:$0x10200] =	vst v63  }
0x2d: {  	s24 =	simm.s32 $0x2A00  }
0x2e: {  	[tilespmem:s24], [sflag:$0x1] =	stream.indirect_vreg.gather [hbm4b:s5+s3], $0x80, v3, vm0, $0xb8;
	[tilespmem:$0x10200] =	vst v63  }
0x2f: {  	s25 =	simm.s32 $0x3200  }
0x30: {  	[tilespmem:s25], [sflag:$0x1] =	stream.indirect_vreg.gather [hbm4b:s6+s3], $0x80, v3, vm0, $0xb8;
	[tilespmem:$0x10200] =	vst v63  }
0x31: {  	s24 =	simm.s32 $0x3A00  }
0x32: {  	[tilespmem:s24], [sflag:$0x1] =	stream.indirect_vreg.gather [hbm4b:s7+s3], $0x80, v3, vm0, $0xb8;
	[tilespmem:$0x10200] =	vst v63  }
0x33: {  	v3 =	vld [tilespmem:$0x10];
	_ =	sdelay $0x4  }
0x34: {  	v61 =	vshll.u32 v3, $0x3  }
0x35: {  	v3 =	vand.u32 $0x7, v3;
	v4 =	vand.u32 $0xFFFFFFC0, v61  }
0x36: {  	v3 =	vor.u32 v3, v4  }
0x37: {  	v4 =	vperm.xlane v3, v0;
	_ =	sdelay $0x1  }
0x38: {  	v4 =	vadd.s32 v1, v4;
	_ =	sdelay $0x3  }
0x39: {  	s25 =	simm.s32 $0x4200  }
0x3a: {  	[tilespmem:s25], [sflag:$0x1] =	stream.indirect_vreg.gather [hbm4b:s1+s3], $0x80, v4, vm0, $0xb8;
	[tilespmem:$0x10200] =	vst v63  }
0x3b: {  	s24 =	simm.s32 $0x4A00;
	v3 =	vperm.xlane v3, v2  }
0x3c: {  	[tilespmem:s24], [sflag:$0x1] =	stream.indirect_vreg.gather [hbm4b:s5+s3], $0x80, v4, vm0, $0xb8;
	[tilespmem:$0x10200] =	vst v63  }
0x3d: {  	v3 =	vadd.s32 v1, v3;
	s25 =	simm.s32 $0x5200  }
0x3e: {  	[tilespmem:s25], [sflag:$0x1] =	stream.indirect_vreg.gather [hbm4b:s6+s3], $0x80, v4, vm0, $0xb8;
	[tilespmem:$0x10200] =	vst v63  }
0x3f: {  	s24 =	simm.s32 $0x5A00  }
0x40: {  	[tilespmem:s24], [sflag:$0x1] =	stream.indirect_vreg.gather [hbm4b:s7+s3], $0x80, v4, vm0, $0xb8;
	[tilespmem:$0x10200] =	vst v63  }
0x41: {  	s25 =	simm.s32 $0x6200  }
0x42: {  	[tilespmem:s25], [sflag:$0x1] =	stream.indirect_vreg.gather [hbm4b:s1+s3], $0x80, v3, vm0, $0xb8;
	[tilespmem:$0x10200] =	vst v63  }
0x43: {  	s24 =	simm.s32 $0x6A00  }
0x44: {  	[tilespmem:s24], [sflag:$0x1] =	stream.indirect_vreg.gather [hbm4b:s5+s3], $0x80, v3, vm0, $0xb8;
	[tilespmem:$0x10200] =	vst v63  }
0x45: {  	_ = 	snop  }
0x46: {  	[tilespmem:s15], [sflag:$0x1] =	stream.indirect_vreg.gather [hbm4b:s6+s3], $0x80, v3, vm0, $0xb8;
	[tilespmem:$0x10200] =	vst v63  }
0x47: {  	_ = 	snop  }
0x48: {  	[tilespmem:s16], [sflag:$0x1] =	stream.indirect_vreg.gather [hbm4b:s7+s3], $0x80, v3, vm0, $0xb8;
	[tilespmem:$0x10200] =	vst v63  }
0x49: {  	v3 =	vld [tilespmem:$0x20];
	_ =	sdelay $0x4  }
0x4a: {  	v62 =	vshll.u32 v3, $0x3  }
0x4b: {  	v3 =	vand.u32 $0x7, v3;
	v4 =	vand.u32 $0xFFFFFFC0, v62  }
0x4c: {  	v3 =	vor.u32 v3, v4  }
0x4d: {  	v4 =	vperm.xlane v3, v0;
	_ =	sdelay $0x1  }
0x4e: {  	v4 =	vadd.s32 v1, v4;
	_ =	sdelay $0x4  }
0x4f: {  	[tilespmem:s30], [sflag:$0x2] =	stream.indirect_vreg.gather [hbm4b:s1+s3], $0x80, v4, vm0, $0xb8;
	[tilespmem:$0x10200] =	vst v63  }
0x50: {  	v3 =	vperm.xlane v3, v2  }
0x51: {  	[tilespmem:s17], [sflag:$0x2] =	stream.indirect_vreg.gather [hbm4b:s5+s3], $0x80, v4, vm0, $0xb8;
	[tilespmem:$0x10200] =	vst v63  }
0x52: {  	v3 =	vadd.s32 v1, v3  }
0x53: {  	[tilespmem:s18], [sflag:$0x2] =	stream.indirect_vreg.gather [hbm4b:s6+s3], $0x80, v4, vm0, $0xb8;
	[tilespmem:$0x10200] =	vst v63  }
0x54: {  	_ = 	snop  }
0x55: {  	[tilespmem:s19], [sflag:$0x2] =	stream.indirect_vreg.gather [hbm4b:s7+s3], $0x80, v4, vm0, $0xb8;
	[tilespmem:$0x10200] =	vst v63  }
0x56: {  	_ = 	snop  }
0x57: {  	[tilespmem:s28], [sflag:$0x2] =	stream.indirect_vreg.gather [hbm4b:s1+s3], $0x80, v3, vm0, $0xb8;
	[tilespmem:$0x10200] =	vst v63  }
0x58: {  	_ = 	snop  }
0x59: {  	[tilespmem:s29], [sflag:$0x2] =	stream.indirect_vreg.gather [hbm4b:s5+s3], $0x80, v3, vm0, $0xb8;
	[tilespmem:$0x10200] =	vst v63  }
0x5a: {  	_ = 	snop  }
0x5b: {  	[tilespmem:s31], [sflag:$0x2] =	stream.indirect_vreg.gather [hbm4b:s6+s3], $0x80, v3, vm0, $0xb8;
	[tilespmem:$0x10200] =	vst v63  }
0x5c: {  	s0 =	simm.s32 $0xBA00  }
0x5d: {  	[tilespmem:s0], [sflag:$0x2] =	stream.indirect_vreg.gather [hbm4b:s7+s3], $0x80, v3, vm0, $0xb8;
	[tilespmem:$0x10200] =	vst v63  }
0x5e: {  	v3 =	vld [tilespmem:$0x30];
	_ =	sdelay $0x4  }
0x5f: {  	v63 =	vshll.u32 v3, $0x3  }
0x60: {  	v3 =	vand.u32 $0x7, v3;
	v4 =	vand.u32 $0xFFFFFFC0, v63  }
0x61: {  	v3 =	vor.u32 v3, v4  }
0x62: {  	v4 =	vperm.xlane v3, v0;
	_ =	sdelay $0x1  }
0x63: {  	v4 =	vadd.s32 v1, v4;
	_ =	sdelay $0x4  }
0x64: {  	[tilespmem:s2], [sflag:$0x2] =	stream.indirect_vreg.gather [hbm4b:s1+s3], $0x80, v4, vm0, $0xb8;
	[tilespmem:$0x10200] =	vst v63  }
0x65: {  	v3 =	vperm.xlane v3, v2  }
0x66: {  	[tilespmem:s11], [sflag:$0x2] =	stream.indirect_vreg.gather [hbm4b:s5+s3], $0x80, v4, vm0, $0xb8;
	[tilespmem:$0x10200] =	vst v63  }
0x67: {  	v3 =	vadd.s32 v1, v3  }
0x68: {  	[tilespmem:s4], [sflag:$0x2] =	stream.indirect_vreg.gather [hbm4b:s6+s3], $0x80, v4, vm0, $0xb8;
	[tilespmem:$0x10200] =	vst v63  }
0x69: {  	_ = 	snop  }
0x6a: {  	[tilespmem:s9], [sflag:$0x2] =	stream.indirect_vreg.gather [hbm4b:s7+s3], $0x80, v4, vm0, $0xb8;
	[tilespmem:$0x10200] =	vst v63  }
0x6b: {  	_ = 	snop  }
0x6c: {  	[tilespmem:s10], [sflag:$0x2] =	stream.indirect_vreg.gather [hbm4b:s1+s3], $0x80, v3, vm0, $0xb8;
	[tilespmem:$0x10200] =	vst v63  }
0x6d: {  	_ = 	snop  }
0x6e: {  	[tilespmem:s8], [sflag:$0x2] =	stream.indirect_vreg.gather [hbm4b:s5+s3], $0x80, v3, vm0, $0xb8;
	[tilespmem:$0x10200] =	vst v63  }
0x6f: {  	_ = 	snop  }
0x70: {  	[tilespmem:s13], [sflag:$0x2] =	stream.indirect_vreg.gather [hbm4b:s6+s3], $0x80, v3, vm0, $0xb8;
	[tilespmem:$0x10200] =	vst v63  }
0x71: {  	_ = 	snop  }
0x72: {  	[tilespmem:s14], [sflag:$0x2] =	stream.indirect_vreg.gather [hbm4b:s7+s3], $0x80, v3, vm0, $0xb8;
	[tilespmem:$0x10200] =	vst v63  }
0x73: {  	_ =	swait.ge [sflag:s20], $0x8000  }
0x74: {  	[sflag:s20] =	ssyncset.done $0x0  }
0x75: {  	s25 =	rddreg [dreg:$0x7];
	[sflag:s20] =	ssyncadd.s32 $0xFFFF8000  }
0x76: {  	[hbm4b:s25+s3] =	stream.linear.scatter [tilespmem:s12], [sflag:$0x3], $0x8000, $0x38;
	[tilespmem:$0x10200] =	vst v63  }
0x77: {  	s24 =	simm.s32 $0x70;
	s25 =	simm.s32 $0x0  }
.LBB2_2:
0x78: {  	_ =	swait.ge [sflag:s21], $0x8000  }
0x79: {  	[sflag:s21] =	ssyncset.done $0x0  }
0x7a: {  	[sflag:s21] =	ssyncadd.s32 $0xFFFF8000  }
0x7b: {  	v3 =	vld [tilespmem:s24+$0xFFFFFFD0];
	_ =	sdelay $0x4  }
0x7c: {  	v4 =	vshll.u32 v3, $0x3  }
0x7d: {  	v3 =	vand.u32 $0x7, v3;
	v4 =	vand.u32 $0xFFFFFFC0, v4  }
0x7e: {  	v3 =	vor.u32 v3, v4  }
0x7f: {  	v4 =	vperm.xlane v3, v0;
	_ =	sdelay $0x1  }
0x80: {  	v4 =	vadd.s32 v1, v4;
	_ =	sdelay $0x4  }
0x81: {  	[tilespmem:s12], [sflag:$0x1] =	stream.indirect_vreg.gather [hbm4b:s1+s3], $0x80, v4, vm0, $0xb8;
	[tilespmem:$0x10200] =	vst v63  }
0x82: {  	v3 =	vperm.xlane v3, v2  }
0x83: {  	[tilespmem:s26], [sflag:$0x1] =	stream.indirect_vreg.gather [hbm4b:s5+s3], $0x80, v4, vm0, $0xb8;
	[tilespmem:$0x10200] =	vst v63  }
0x84: {  	v3 =	vadd.s32 v1, v3;
	s26 =	simm.s32 $0x1200  }
0x85: {  	[tilespmem:s26], [sflag:$0x1] =	stream.indirect_vreg.gather [hbm4b:s6+s3], $0x80, v4, vm0, $0xb8;
	[tilespmem:$0x10200] =	vst v63  }
0x86: {  	s26 =	simm.s32 $0x1A00  }
0x87: {  	[tilespmem:s26], [sflag:$0x1] =	stream.indirect_vreg.gather [hbm4b:s7+s3], $0x80, v4, vm0, $0xb8;
	[tilespmem:$0x10200] =	vst v63  }
0x88: {  	s26 =	simm.s32 $0x2200  }
0x89: {  	[tilespmem:s26], [sflag:$0x1] =	stream.indirect_vreg.gather [hbm4b:s1+s3], $0x80, v3, vm0, $0xb8;
	[tilespmem:$0x10200] =	vst v63  }
0x8a: {  	s26 =	simm.s32 $0x2A00  }
0x8b: {  	[tilespmem:s26], [sflag:$0x1] =	stream.indirect_vreg.gather [hbm4b:s5+s3], $0x80, v3, vm0, $0xb8;
	[tilespmem:$0x10200] =	vst v63  }
0x8c: {  	s26 =	simm.s32 $0x3200  }
0x8d: {  	[tilespmem:s26], [sflag:$0x1] =	stream.indirect_vreg.gather [hbm4b:s6+s3], $0x80, v3, vm0, $0xb8;
	[tilespmem:$0x10200] =	vst v63  }
0x8e: {  	s26 =	simm.s32 $0x3A00  }
0x8f: {  	[tilespmem:s26], [sflag:$0x1] =	stream.indirect_vreg.gather [hbm4b:s7+s3], $0x80, v3, vm0, $0xb8;
	[tilespmem:$0x10200] =	vst v63  }
0x90: {  	v3 =	vld [tilespmem:s24+$0xFFFFFFE0];
	_ =	sdelay $0x4  }
0x91: {  	v61 =	vshll.u32 v3, $0x3  }
0x92: {  	v3 =	vand.u32 $0x7, v3;
	v4 =	vand.u32 $0xFFFFFFC0, v61  }
0x93: {  	v3 =	vor.u32 v3, v4  }
0x94: {  	v4 =	vperm.xlane v3, v0;
	_ =	sdelay $0x1  }
0x95: {  	v4 =	vadd.s32 v1, v4;
	_ =	sdelay $0x3  }
0x96: {  	s26 =	simm.s32 $0x4200  }
0x97: {  	[tilespmem:s26], [sflag:$0x1] =	stream.indirect_vreg.gather [hbm4b:s1+s3], $0x80, v4, vm0, $0xb8;
	[tilespmem:$0x10200] =	vst v63  }
0x98: {  	v3 =	vperm.xlane v3, v2;
	s26 =	simm.s32 $0x4A00  }
0x99: {  	[tilespmem:s26], [sflag:$0x1] =	stream.indirect_vreg.gather [hbm4b:s5+s3], $0x80, v4, vm0, $0xb8;
	[tilespmem:$0x10200] =	vst v63  }
0x9a: {  	v3 =	vadd.s32 v1, v3;
	s26 =	simm.s32 $0x5200  }
0x9b: {  	[tilespmem:s26], [sflag:$0x1] =	stream.indirect_vreg.gather [hbm4b:s6+s3], $0x80, v4, vm0, $0xb8;
	[tilespmem:$0x10200] =	vst v63  }
0x9c: {  	s26 =	simm.s32 $0x5A00  }
0x9d: {  	[tilespmem:s26], [sflag:$0x1] =	stream.indirect_vreg.gather [hbm4b:s7+s3], $0x80, v4, vm0, $0xb8;
	[tilespmem:$0x10200] =	vst v63  }
0x9e: {  	s26 =	simm.s32 $0x6200  }
0x9f: {  	[tilespmem:s26], [sflag:$0x1] =	stream.indirect_vreg.gather [hbm4b:s1+s3], $0x80, v3, vm0, $0xb8;
	[tilespmem:$0x10200] =	vst v63  }
0xa0: {  	s26 =	simm.s32 $0x6A00  }
0xa1: {  	[tilespmem:s26], [sflag:$0x1] =	stream.indirect_vreg.gather [hbm4b:s5+s3], $0x80, v3, vm0, $0xb8;
	[tilespmem:$0x10200] =	vst v63  }
0xa2: {  	_ = 	snop  }
0xa3: {  	[tilespmem:s15], [sflag:$0x1] =	stream.indirect_vreg.gather [hbm4b:s6+s3], $0x80, v3, vm0, $0xb8;
	[tilespmem:$0x10200] =	vst v63  }
0xa4: {  	_ = 	snop  }
0xa5: {  	[tilespmem:s16], [sflag:$0x1] =	stream.indirect_vreg.gather [hbm4b:s7+s3], $0x80, v3, vm0, $0xb8;
	[tilespmem:$0x10200] =	vst v63  }
0xa6: {  	_ =	swait.ge [sflag:s22], $0x8000  }
0xa7: {  	s26 =	rddreg [dreg:$0x5];
	[sflag:s22] =	ssyncset.done $0x0  }
0xa8: {  	[sflag:s22] =	ssyncadd.s32 $0xFFFF8000;
	s26 =	sadd.s32 s25, s26  }
0xa9: {  	[hbm4b:s26+s3] =	stream.linear.scatter [tilespmem:s30], [sflag:$0x4], $0x8000, $0x38;
	[tilespmem:$0x10200] =	vst v63  }
0xaa: {  	_ =	swait.ge [sflag:s23], $0x8000  }
0xab: {  	[sflag:s23] =	ssyncset.done $0x0  }
0xac: {  	[sflag:s23] =	ssyncadd.s32 $0xFFFF8000  }
0xad: {  	v3 =	vld [tilespmem:s24+$0xFFFFFFF0];
	_ =	sdelay $0x4  }
0xae: {  	v62 =	vshll.u32 v3, $0x3  }
0xaf: {  	v3 =	vand.u32 $0x7, v3;
	v4 =	vand.u32 $0xFFFFFFC0, v62  }
0xb0: {  	v3 =	vor.u32 v3, v4  }
0xb1: {  	v4 =	vperm.xlane v3, v0;
	_ =	sdelay $0x1  }
0xb2: {  	v4 =	vadd.s32 v1, v4;
	_ =	sdelay $0x4  }
0xb3: {  	[tilespmem:s30], [sflag:$0x2] =	stream.indirect_vreg.gather [hbm4b:s1+s3], $0x80, v4, vm0, $0xb8;
	[tilespmem:$0x10200] =	vst v63  }
0xb4: {  	v3 =	vperm.xlane v3, v2  }
0xb5: {  	[tilespmem:s17], [sflag:$0x2] =	stream.indirect_vreg.gather [hbm4b:s5+s3], $0x80, v4, vm0, $0xb8;
	[tilespmem:$0x10200] =	vst v63  }
0xb6: {  	v3 =	vadd.s32 v1, v3  }
0xb7: {  	[tilespmem:s18], [sflag:$0x2] =	stream.indirect_vreg.gather [hbm4b:s6+s3], $0x80, v4, vm0, $0xb8;
	[tilespmem:$0x10200] =	vst v63  }
0xb8: {  	_ = 	snop  }
0xb9: {  	[tilespmem:s19], [sflag:$0x2] =	stream.indirect_vreg.gather [hbm4b:s7+s3], $0x80, v4, vm0, $0xb8;
	[tilespmem:$0x10200] =	vst v63  }
0xba: {  	_ = 	snop  }
0xbb: {  	[tilespmem:s28], [sflag:$0x2] =	stream.indirect_vreg.gather [hbm4b:s1+s3], $0x80, v3, vm0, $0xb8;
	[tilespmem:$0x10200] =	vst v63  }
0xbc: {  	_ = 	snop  }
0xbd: {  	[tilespmem:s29], [sflag:$0x2] =	stream.indirect_vreg.gather [hbm4b:s5+s3], $0x80, v3, vm0, $0xb8;
	[tilespmem:$0x10200] =	vst v63  }
0xbe: {  	_ = 	snop  }
0xbf: {  	[tilespmem:s31], [sflag:$0x2] =	stream.indirect_vreg.gather [hbm4b:s6+s3], $0x80, v3, vm0, $0xb8;
	[tilespmem:$0x10200] =	vst v63  }
0xc0: {  	_ = 	snop  }
0xc1: {  	[tilespmem:s0], [sflag:$0x2] =	stream.indirect_vreg.gather [hbm4b:s7+s3], $0x80, v3, vm0, $0xb8;
	[tilespmem:$0x10200] =	vst v63  }
0xc2: {  	v3 =	vld [tilespmem:s24+$0x0];
	_ =	sdelay $0x4  }
0xc3: {  	v63 =	vshll.u32 v3, $0x3  }
0xc4: {  	v3 =	vand.u32 $0x7, v3;
	v4 =	vand.u32 $0xFFFFFFC0, v63  }
0xc5: {  	v3 =	vor.u32 v3, v4  }
0xc6: {  	v4 =	vperm.xlane v3, v0;
	_ =	sdelay $0x1  }
0xc7: {  	v4 =	vadd.s32 v1, v4;
	_ =	sdelay $0x4  }
0xc8: {  	[tilespmem:s2], [sflag:$0x2] =	stream.indirect_vreg.gather [hbm4b:s1+s3], $0x80, v4, vm0, $0xb8;
	[tilespmem:$0x10200] =	vst v63  }
0xc9: {  	v3 =	vperm.xlane v3, v2  }
0xca: {  	[tilespmem:s11], [sflag:$0x2] =	stream.indirect_vreg.gather [hbm4b:s5+s3], $0x80, v4, vm0, $0xb8;
	[tilespmem:$0x10200] =	vst v63  }
0xcb: {  	v3 =	vadd.s32 v1, v3  }
0xcc: {  	[tilespmem:s4], [sflag:$0x2] =	stream.indirect_vreg.gather [hbm4b:s6+s3], $0x80, v4, vm0, $0xb8;
	[tilespmem:$0x10200] =	vst v63  }
0xcd: {  	_ = 	snop  }
0xce: {  	[tilespmem:s9], [sflag:$0x2] =	stream.indirect_vreg.gather [hbm4b:s7+s3], $0x80, v4, vm0, $0xb8;
	[tilespmem:$0x10200] =	vst v63  }
0xcf: {  	_ = 	snop  }
0xd0: {  	[tilespmem:s10], [sflag:$0x2] =	stream.indirect_vreg.gather [hbm4b:s1+s3], $0x80, v3, vm0, $0xb8;
	[tilespmem:$0x10200] =	vst v63  }
0xd1: {  	_ = 	snop  }
0xd2: {  	[tilespmem:s8], [sflag:$0x2] =	stream.indirect_vreg.gather [hbm4b:s5+s3], $0x80, v3, vm0, $0xb8;
	[tilespmem:$0x10200] =	vst v63  }
0xd3: {  	_ = 	snop  }
0xd4: {  	[tilespmem:s13], [sflag:$0x2] =	stream.indirect_vreg.gather [hbm4b:s6+s3], $0x80, v3, vm0, $0xb8;
	[tilespmem:$0x10200] =	vst v63  }
0xd5: {  	p0 =	sne.s32 s25, $0xC000  }
0xd6: {  	[tilespmem:s14], [sflag:$0x2] =	stream.indirect_vreg.gather [hbm4b:s7+s3], $0x80, v3, vm0, $0xb8;
	[tilespmem:$0x10200] =	vst v63  }
.Ltmp0:
0xd7: {  	_ =	swait.ge [sflag:s20], $0x8000;
	(pc) =	sbr.rel @p0 .LBB2_2-.Ltmp0, $4  }
0xd8: {  	s26 =	rddreg [dreg:$0x4];
	[sflag:s20] =	ssyncset.done $0x0  }
0xd9: {  	[sflag:s20] =	ssyncadd.s32 $0xFFFF8000;
	s26 =	sadd.s32 s25, s26  }
0xda: {  	[hbm4b:s26+s3] =	stream.linear.scatter [tilespmem:s12], [sflag:$0x3], $0x8000, $0x38;
	[tilespmem:$0x10200] =	vst v63  }
0xdb: {  	s24 =	sadd.s32 $0x40, s24;
	s25 =	sadd.s32 $0x2000, s25;
	s26 =	simm.s32 $0xA00  }
0xdc: {  	_ =	swait.ge [sflag:s22], $0x8000  }
0xdd: {  	[sflag:s22] =	ssyncset.done $0x0  }
0xde: {  	s24 =	rddreg [dreg:$0x8];
	[sflag:s22] =	ssyncadd.s32 $0xFFFF8000  }
0xdf: {  	[hbm4b:s24+s3] =	stream.linear.scatter [tilespmem:s30], [sflag:$0x4], $0x8000, $0x38;
	[tilespmem:$0x10200] =	vst v63  }
0xe0: {  	_ =	swait.ge [sflag:s21], $0x8000  }
0xe1: {  	[sflag:s21] =	ssyncset.done $0x0  }
0xe2: {  	[sflag:s21] =	ssyncadd.s32 $0xFFFF8000  }
0xe3: {  	_ =	swait.ge [sflag:s23], $0x8000  }
0xe4: {  	s0 =	rddreg [dreg:$0xa]  }
0xe5: {  	s25 =	rddreg [dreg:$0x9];
	s0 =	sadd.s32 $0x1, s0  }
0xe6: {  	p0 =	sne.s32 s0, s25  }
.Ltmp1:
0xe7: {  	_ = 	snop;
	(pc) =	sbr.rel @p0 .LBB2_1-.Ltmp1, $3  }
0xe8: {  	_ =	sdelay $0x1  }
0xe9: {  	[sflag:s23] =	ssyncset.done $0x0  }
0xea: {  	[sflag:s23] =	ssyncadd.s32 $0xFFFF8000  }
0xeb: {  	_ =	sfence.sel $0x180000  }
0xec: {  	[bflag:$0x0] =	sbarrier.arrive $0xFFFF  }
0xed: {  	_ =	strace $0x90000047  }
0xee: {  	s0 =	stileid.u32;
	[bflag:$0x2] =	sbarrier.arrive $0xFFFF  }
0xef: {  	p0 =	sne.s32 s0, $0x0;
	s0 =	rddreg [dreg:$0x3]  }
0xf0: {  	s0 =	sadd.s32 @!p0 $0x100000, s0  }
0xf1: {  	[sflag:s0] =	ssyncadd.tile.s32 @!p0 $0x1;
	_ =	shalt  }
.Lfunc_end2:
_tile_overlayer_lowered:
.L_overlay_start_2:
0xf2: {  	(tag) =	ssettag $0x2  }
0xf3: {  	s0 =	rddreg [dreg:$0x0];
	s2 =	stileid.u32  }
0xf4: {  	s1 =	rddreg [dreg:$0x1];
	p0 =	sne.s32 s2, $0x0  }
0xf5: {  	s3 =	rddreg [dreg:$0x2];
	[bflag:$0x3] =	sbarrier.arrive $0xFFFF;
	s2 =	simm.s32 @!p0 $0x1C05  }
0xf6: {  	[timem:s3], [sflag:s2] =	dma.local @!p0 [hbm:s0], s1  }
0xf7: {  	s0 =	simm.s32 @!p0 $0x5  }
0xf8: {  	_ =	swait.ge @!p0 [sflag:s0], s1  }
0xf9: {  	s1 =	ssub.s32 @!p0 $0x0, s1;
	[sflag:s0] =	ssyncset.done @!p0 $0x0  }
0xfa: {  	[sflag:s0] =	ssyncadd.s32 @!p0 s1  }
0xfb: {  	[bflag:$0x3] =	sbarrier.arrive $0xFFFF  }
0xfc: {  	_ =	shalt  }

</sc_bundles>
